<compile_context>
chip_gen: v7x
topology: tpu7x:2x2x1
jax: 0.10.2.dev20260603
libtpu: 0.0.44.dev20260713+nightly
codegen_flags: <defaults>
</compile_context>

<pallas_src>
import functools

import jax
import jax.numpy as jnp
from jax import lax
from jax.experimental import pallas as pl
from jax.experimental.pallas import tpu as pltpu
from jax.experimental.pallas import tpu_sc as plsc

_BATCH = 4096
_SEQ = 50
_VOCAB = 100000
_D = 128
_NW = 32
_BB_PER_W = _BATCH // _NW
_NCH = 2
_CH = _BB_PER_W // _NCH
_NBUF = 10

_mesh = plsc.VectorSubcoreMesh(core_axis_name="c", subcore_axis_name="s")


@functools.partial(
    pl.kernel,
    mesh=_mesh,
    out_type=jax.ShapeDtypeStruct((_SEQ, _BATCH, _D), jnp.float32),
    scratch_types=[
        pltpu.VMEM((_SEQ, _BB_PER_W), jnp.int32),
        pltpu.VMEM((_NBUF, _CH, _D), jnp.float32),
        pltpu.SemaphoreType.DMA((_NBUF,)),
        pltpu.SemaphoreType.DMA((_NBUF,)),
    ],
)
def _emb_lookup(xt_hbm, table_hbm, out_hbm, idxt_v, rows_v, gsems, ssems):
    wid = lax.axis_index("s") * 2 + lax.axis_index("c")
    b0 = wid * _BB_PER_W
    pltpu.sync_copy(xt_hbm.at[:, pl.ds(b0, _BB_PER_W)], idxt_v)

    def issue_gather(c, b):
        s, half = c // _NCH, c % _NCH
        pltpu.async_copy(
            table_hbm.at[idxt_v.at[s, pl.ds(half * _CH, _CH)]],
            rows_v.at[b],
            gsems.at[b],
        )

    for b in range(_NBUF):
        issue_gather(b, b)

    def group(g, carry):
        i0 = g * _NBUF
        for b in range(_NBUF):
            c = i0 + b
            s, half = c // _NCH, c % _NCH
            pltpu.make_async_copy(
                out_hbm.at[0, pl.ds(0, _CH)], rows_v.at[b], gsems.at[b]
            ).wait()
            pltpu.async_copy(
                rows_v.at[b],
                out_hbm.at[s, pl.ds(b0 + half * _CH, _CH)],
                ssems.at[b],
            )
        for b in range(_NBUF):
            pltpu.make_async_copy(
                rows_v.at[b], out_hbm.at[0, pl.ds(0, _CH)], ssems.at[b]
            ).wait()
            nxt = i0 + _NBUF + b

            @pl.when(nxt < _SEQ * _NCH)
            def _():
                issue_gather(nxt, b)

        return carry

    lax.fori_loop(0, _SEQ * _NCH // _NBUF, group, 0)


def kernel(x, table):
    out = _emb_lookup(x.T, table)
    return jnp.transpose(out, (1, 0, 2))

# --- scband reference (transcript-rebuilt; emitter-appended) ---
"""Pipeline reference for scband-embedding-17437567221939 (READ-ONLY COPY).

The authoritative reference and input builder live on the scoring server;
editing this copy changes nothing except your own understanding.
"""

import jax, jax.numpy as jnp
import numpy as np

VOCAB = 100000
EMBED_DIM = 128
BATCH = 4096
SEQ = 50

def setup_inputs(seed: int = 0) -> dict:
    key = jax.random.key(seed)
    k1, k2 = jax.random.split(key)
    x = jax.random.randint(k1, (BATCH, SEQ), 0, VOCAB, dtype=jnp.int64 if jax.config.jax_enable_x64 else jnp.int32)
    table = jax.random.normal(k2, (VOCAB, EMBED_DIM), dtype=jnp.float32)
    return {"x": x, "table": table}

def reference(x, table):
    # nn.Embedding lookup: out[b, s, :] = table[x[b, s], :]
    return jnp.take(table, x, axis=0)

if __name__ == "__main__":
    import jax
    _d = setup_inputs()
    print(jax.jit(kernel)(*tuple(_d.values())))

</pallas_src>

<mosaic_0001>
#map = affine_map<(d0, d1) -> (0, 0)>
#map1 = affine_map<(d0, d1) -> (0, 0, 0)>
module attributes {stable_mosaic.version = 14 : i64} {
  func.func @_emb_lookup(%arg0: i32, %arg1: i32, %arg2: memref<50x4096xi32, #tpu.memory_space<hbm>>, %arg3: memref<100000x128xf32, #tpu.memory_space<hbm>>, %arg4: memref<50x4096x128xf32, #tpu.memory_space<hbm>>, %arg5: memref<50x128xi32, #tpu.memory_space<vmem>>, %arg6: memref<10x64x128xf32, #tpu.memory_space<vmem>>, %arg7: memref<10x!tpu.dma_semaphore, #tpu.memory_space<semaphore_mem>>, %arg8: memref<10x!tpu.dma_semaphore, #tpu.memory_space<semaphore_mem>>) attributes {dimension_semantics = [#tpu.dimension_semantics<core_parallel>, #tpu.dimension_semantics<subcore_parallel>], iteration_bounds = array<i64: 2, 16>, scalar_prefetch = 0 : i64, scratch_operands = 4 : i64, tpu.core_type = #tpu.core_type<sc_vector_subcore>, window_params = [{transform_indices = #map}, {transform_indices = #map}, {transform_indices = #map1}]} {
    %mul3A = arith.constant 2 : i32
    %mul3A_0 = arith.muli %arg1, %mul3A : i32
    %add3A = arith.addi %mul3A_0, %arg0 : i32
    %mul3A_1 = arith.constant 128 : i32
    %mul3A_2 = arith.muli %add3A, %mul3A_1 : i32
    "tpu.region"() ({
      %run_scoped3A = tpu.sem_alloc : memref<!tpu.dma_semaphore, #tpu.memory_space<semaphore_mem>>
      %dma_start3A_157 = arith.constant 0 : i32
      %dma_start3A_158 = tpu.memref_slice %arg2[%dma_start3A_157, %mul3A_2] : memref<50x4096xi32, #tpu.memory_space<hbm>> -> memref<50x128xi32, #tpu.memory_space<hbm>>
      %dma_start3A_159 = arith.constant 0 : i32
      %dma_start3A_160 = tpu.memref_slice %arg2[%dma_start3A_159, %mul3A_2] : memref<50x4096xi32, #tpu.memory_space<hbm>> -> memref<50x128xi32, #tpu.memory_space<hbm>>
      tpu.enqueue_dma source(%dma_start3A_160 : memref<50x128xi32, #tpu.memory_space<hbm>>) target(%arg5 : memref<50x128xi32, #tpu.memory_space<vmem>>) target_semaphore(%run_scoped3A : memref<!tpu.dma_semaphore, #tpu.memory_space<semaphore_mem>>)
      %dma_wait3A = arith.constant 0 : i32
      %dma_wait3A_161 = tpu.memref_slice %arg2[%dma_wait3A, %mul3A_2] : memref<50x4096xi32, #tpu.memory_space<hbm>> -> memref<50x128xi32, #tpu.memory_space<hbm>>
      %dma_wait3A_162 = arith.constant 0 : i32
      %dma_wait3A_163 = tpu.memref_slice %arg2[%dma_wait3A_162, %mul3A_2] : memref<50x4096xi32, #tpu.memory_space<hbm>> -> memref<50x128xi32, #tpu.memory_space<hbm>>
      tpu.wait_dma2 semaphore(%run_scoped3A : memref<!tpu.dma_semaphore, #tpu.memory_space<semaphore_mem>>) src(%dma_wait3A_163 : memref<50x128xi32, #tpu.memory_space<hbm>>) dst(%arg5 : memref<50x128xi32, #tpu.memory_space<vmem>>)
      tpu.yield
    }) : () -> ()
    %dma_start3A = arith.constant 0 : i32
    %dma_start3A_3 = arith.constant 0 : i32
    %dma_start3A_4 = arith.constant 0 : i32
    %dma_start3A_5 = arith.constant 0 : i32
    %dma_start3A_6 = arith.constant 0 : i32
    %dma_start3A_7 = tpu.memref_slice %arg6[%dma_start3A_3, %dma_start3A_5, %dma_start3A_6] : memref<10x64x128xf32, #tpu.memory_space<vmem>> -> memref<1x64x128xf32, #tpu.memory_space<vmem>>
    %dma_start3A_8 = tpu.memref_squeeze %dma_start3A_7 : memref<1x64x128xf32, #tpu.memory_space<vmem>> -> memref<64x128xf32, #tpu.memory_space<vmem>>
    %dma_start3A_9 = arith.constant 0 : i32
    %dma_start3A_10 = tpu.memref_slice %arg5[%dma_start3A, %dma_start3A_9] : memref<50x128xi32, #tpu.memory_space<vmem>> -> memref<1x64xi32, #tpu.memory_space<vmem>>
    %dma_start3A_11 = tpu.memref_squeeze %dma_start3A_10 : memref<1x64xi32, #tpu.memory_space<vmem>> -> memref<64xi32, #tpu.memory_space<vmem>>
    %dma_start3A_12 = arith.constant 0 : i32
    %dma_start3A_13 = arith.constant 0 : i32
    %dma_start3A_14 = tpu.memref_slice %arg3[%dma_start3A_12, %dma_start3A_13] : memref<100000x128xf32, #tpu.memory_space<hbm>> -> memref<100000x128xf32, #tpu.memory_space<hbm>>
    %dma_start3A_15 = tpu.memref_slice %arg7[%dma_start3A_4] : memref<10x!tpu.dma_semaphore, #tpu.memory_space<semaphore_mem>> -> memref<1x!tpu.dma_semaphore, #tpu.memory_space<semaphore_mem>>
    %dma_start3A_16 = tpu.memref_squeeze %dma_start3A_15 : memref<1x!tpu.dma_semaphore, #tpu.memory_space<semaphore_mem>> -> memref<!tpu.dma_semaphore, #tpu.memory_space<semaphore_mem>>
    tpu.enqueue_indirect_dma source(%dma_start3A_14 : memref<100000x128xf32, #tpu.memory_space<hbm>>) target(%dma_start3A_8 : memref<64x128xf32, #tpu.memory_space<vmem>>) offsets(%dma_start3A_11 : memref<64xi32, #tpu.memory_space<vmem>>) semaphore(%dma_start3A_16 : memref<!tpu.dma_semaphore, #tpu.memory_space<semaphore_mem>>)
    %dma_start3A_17 = arith.constant 0 : i32
    %dma_start3A_18 = arith.constant 1 : i32
    %dma_start3A_19 = arith.constant 1 : i32
    %dma_start3A_20 = arith.constant 0 : i32
    %dma_start3A_21 = arith.constant 0 : i32
    %dma_start3A_22 = tpu.memref_slice %arg6[%dma_start3A_18, %dma_start3A_20, %dma_start3A_21] : memref<10x64x128xf32, #tpu.memory_space<vmem>> -> memref<1x64x128xf32, #tpu.memory_space<vmem>>
    %dma_start3A_23 = tpu.memref_squeeze %dma_start3A_22 : memref<1x64x128xf32, #tpu.memory_space<vmem>> -> memref<64x128xf32, #tpu.memory_space<vmem>>
    %dma_start3A_24 = arith.constant 64 : i32
    %dma_start3A_25 = tpu.memref_slice %arg5[%dma_start3A_17, %dma_start3A_24] : memref<50x128xi32, #tpu.memory_space<vmem>> -> memref<1x64xi32, #tpu.memory_space<vmem>>
    %dma_start3A_26 = tpu.memref_squeeze %dma_start3A_25 : memref<1x64xi32, #tpu.memory_space<vmem>> -> memref<64xi32, #tpu.memory_space<vmem>>
    %dma_start3A_27 = arith.constant 0 : i32
    %dma_start3A_28 = arith.constant 0 : i32
    %dma_start3A_29 = tpu.memref_slice %arg3[%dma_start3A_27, %dma_start3A_28] : memref<100000x128xf32, #tpu.memory_space<hbm>> -> memref<100000x128xf32, #tpu.memory_space<hbm>>
    %dma_start3A_30 = tpu.memref_slice %arg7[%dma_start3A_19] : memref<10x!tpu.dma_semaphore, #tpu.memory_space<semaphore_mem>> -> memref<1x!tpu.dma_semaphore, #tpu.memory_space<semaphore_mem>>
    %dma_start3A_31 = tpu.memref_squeeze %dma_start3A_30 : memref<1x!tpu.dma_semaphore, #tpu.memory_space<semaphore_mem>> -> memref<!tpu.dma_semaphore, #tpu.memory_space<semaphore_mem>>
    tpu.enqueue_indirect_dma source(%dma_start3A_29 : memref<100000x128xf32, #tpu.memory_space<hbm>>) target(%dma_start3A_23 : memref<64x128xf32, #tpu.memory_space<vmem>>) offsets(%dma_start3A_26 : memref<64xi32, #tpu.memory_space<vmem>>) semaphore(%dma_start3A_31 : memref<!tpu.dma_semaphore, #tpu.memory_space<semaphore_mem>>)
    %dma_start3A_32 = arith.constant 1 : i32
    %dma_start3A_33 = arith.constant 2 : i32
    %dma_start3A_34 = arith.constant 2 : i32
    %dma_start3A_35 = arith.constant 0 : i32
    %dma_start3A_36 = arith.constant 0 : i32
    %dma_start3A_37 = tpu.memref_slice %arg6[%dma_start3A_33, %dma_start3A_35, %dma_start3A_36] : memref<10x64x128xf32, #tpu.memory_space<vmem>> -> memref<1x64x128xf32, #tpu.memory_space<vmem>>
    %dma_start3A_38 = tpu.memref_squeeze %dma_start3A_37 : memref<1x64x128xf32, #tpu.memory_space<vmem>> -> memref<64x128xf32, #tpu.memory_space<vmem>>
    %dma_start3A_39 = arith.constant 0 : i32
    %dma_start3A_40 = tpu.memref_slice %arg5[%dma_start3A_32, %dma_start3A_39] : memref<50x128xi32, #tpu.memory_space<vmem>> -> memref<1x64xi32, #tpu.memory_space<vmem>>
    %dma_start3A_41 = tpu.memref_squeeze %dma_start3A_40 : memref<1x64xi32, #tpu.memory_space<vmem>> -> memref<64xi32, #tpu.memory_space<vmem>>
    %dma_start3A_42 = arith.constant 0 : i32
    %dma_start3A_43 = arith.constant 0 : i32
    %dma_start3A_44 = tpu.memref_slice %arg3[%dma_start3A_42, %dma_start3A_43] : memref<100000x128xf32, #tpu.memory_space<hbm>> -> memref<100000x128xf32, #tpu.memory_space<hbm>>
    %dma_start3A_45 = tpu.memref_slice %arg7[%dma_start3A_34] : memref<10x!tpu.dma_semaphore, #tpu.memory_space<semaphore_mem>> -> memref<1x!tpu.dma_semaphore, #tpu.memory_space<semaphore_mem>>
    %dma_start3A_46 = tpu.memref_squeeze %dma_start3A_45 : memref<1x!tpu.dma_semaphore, #tpu.memory_space<semaphore_mem>> -> memref<!tpu.dma_semaphore, #tpu.memory_space<semaphore_mem>>
    tpu.enqueue_indirect_dma source(%dma_start3A_44 : memref<100000x128xf32, #tpu.memory_space<hbm>>) target(%dma_start3A_38 : memref<64x128xf32, #tpu.memory_space<vmem>>) offsets(%dma_start3A_41 : memref<64xi32, #tpu.memory_space<vmem>>) semaphore(%dma_start3A_46 : memref<!tpu.dma_semaphore, #tpu.memory_space<semaphore_mem>>)
    %dma_start3A_47 = arith.constant 1 : i32
    %dma_start3A_48 = arith.constant 3 : i32
    %dma_start3A_49 = arith.constant 3 : i32
    %dma_start3A_50 = arith.constant 0 : i32
    %dma_start3A_51 = arith.constant 0 : i32
    %dma_start3A_52 = tpu.memref_slice %arg6[%dma_start3A_48, %dma_start3A_50, %dma_start3A_51] : memref<10x64x128xf32, #tpu.memory_space<vmem>> -> memref<1x64x128xf32, #tpu.memory_space<vmem>>
    %dma_start3A_53 = tpu.memref_squeeze %dma_start3A_52 : memref<1x64x128xf32, #tpu.memory_space<vmem>> -> memref<64x128xf32, #tpu.memory_space<vmem>>
    %dma_start3A_54 = arith.constant 64 : i32
    %dma_start3A_55 = tpu.memref_slice %arg5[%dma_start3A_47, %dma_start3A_54] : memref<50x128xi32, #tpu.memory_space<vmem>> -> memref<1x64xi32, #tpu.memory_space<vmem>>
    %dma_start3A_56 = tpu.memref_squeeze %dma_start3A_55 : memref<1x64xi32, #tpu.memory_space<vmem>> -> memref<64xi32, #tpu.memory_space<vmem>>
    %dma_start3A_57 = arith.constant 0 : i32
    %dma_start3A_58 = arith.constant 0 : i32
    %dma_start3A_59 = tpu.memref_slice %arg3[%dma_start3A_57, %dma_start3A_58] : memref<100000x128xf32, #tpu.memory_space<hbm>> -> memref<100000x128xf32, #tpu.memory_space<hbm>>
    %dma_start3A_60 = tpu.memref_slice %arg7[%dma_start3A_49] : memref<10x!tpu.dma_semaphore, #tpu.memory_space<semaphore_mem>> -> memref<1x!tpu.dma_semaphore, #tpu.memory_space<semaphore_mem>>
    %dma_start3A_61 = tpu.memref_squeeze %dma_start3A_60 : memref<1x!tpu.dma_semaphore, #tpu.memory_space<semaphore_mem>> -> memref<!tpu.dma_semaphore, #tpu.memory_space<semaphore_mem>>
    tpu.enqueue_indirect_dma source(%dma_start3A_59 : memref<100000x128xf32, #tpu.memory_space<hbm>>) target(%dma_start3A_53 : memref<64x128xf32, #tpu.memory_space<vmem>>) offsets(%dma_start3A_56 : memref<64xi32, #tpu.memory_space<vmem>>) semaphore(%dma_start3A_61 : memref<!tpu.dma_semaphore, #tpu.memory_space<semaphore_mem>>)
    %dma_start3A_62 = arith.constant 2 : i32
    %dma_start3A_63 = arith.constant 4 : i32
    %dma_start3A_64 = arith.constant 4 : i32
    %dma_start3A_65 = arith.constant 0 : i32
    %dma_start3A_66 = arith.constant 0 : i32
    %dma_start3A_67 = tpu.memref_slice %arg6[%dma_start3A_63, %dma_start3A_65, %dma_start3A_66] : memref<10x64x128xf32, #tpu.memory_space<vmem>> -> memref<1x64x128xf32, #tpu.memory_space<vmem>>
    %dma_start3A_68 = tpu.memref_squeeze %dma_start3A_67 : memref<1x64x128xf32, #tpu.memory_space<vmem>> -> memref<64x128xf32, #tpu.memory_space<vmem>>
    %dma_start3A_69 = arith.constant 0 : i32
    %dma_start3A_70 = tpu.memref_slice %arg5[%dma_start3A_62, %dma_start3A_69] : memref<50x128xi32, #tpu.memory_space<vmem>> -> memref<1x64xi32, #tpu.memory_space<vmem>>
    %dma_start3A_71 = tpu.memref_squeeze %dma_start3A_70 : memref<1x64xi32, #tpu.memory_space<vmem>> -> memref<64xi32, #tpu.memory_space<vmem>>
    %dma_start3A_72 = arith.constant 0 : i32
    %dma_start3A_73 = arith.constant 0 : i32
    %dma_start3A_74 = tpu.memref_slice %arg3[%dma_start3A_72, %dma_start3A_73] : memref<100000x128xf32, #tpu.memory_space<hbm>> -> memref<100000x128xf32, #tpu.memory_space<hbm>>
    %dma_start3A_75 = tpu.memref_slice %arg7[%dma_start3A_64] : memref<10x!tpu.dma_semaphore, #tpu.memory_space<semaphore_mem>> -> memref<1x!tpu.dma_semaphore, #tpu.memory_space<semaphore_mem>>
    %dma_start3A_76 = tpu.memref_squeeze %dma_start3A_75 : memref<1x!tpu.dma_semaphore, #tpu.memory_space<semaphore_mem>> -> memref<!tpu.dma_semaphore, #tpu.memory_space<semaphore_mem>>
    tpu.enqueue_indirect_dma source(%dma_start3A_74 : memref<100000x128xf32, #tpu.memory_space<hbm>>) target(%dma_start3A_68 : memref<64x128xf32, #tpu.memory_space<vmem>>) offsets(%dma_start3A_71 : memref<64xi32, #tpu.memory_space<vmem>>) semaphore(%dma_start3A_76 : memref<!tpu.dma_semaphore, #tpu.memory_space<semaphore_mem>>)
    %dma_start3A_77 = arith.constant 2 : i32
    %dma_start3A_78 = arith.constant 5 : i32
    %dma_start3A_79 = arith.constant 5 : i32
    %dma_start3A_80 = arith.constant 0 : i32
    %dma_start3A_81 = arith.constant 0 : i32
    %dma_start3A_82 = tpu.memref_slice %arg6[%dma_start3A_78, %dma_start3A_80, %dma_start3A_81] : memref<10x64x128xf32, #tpu.memory_space<vmem>> -> memref<1x64x128xf32, #tpu.memory_space<vmem>>
    %dma_start3A_83 = tpu.memref_squeeze %dma_start3A_82 : memref<1x64x128xf32, #tpu.memory_space<vmem>> -> memref<64x128xf32, #tpu.memory_space<vmem>>
    %dma_start3A_84 = arith.constant 64 : i32
    %dma_start3A_85 = tpu.memref_slice %arg5[%dma_start3A_77, %dma_start3A_84] : memref<50x128xi32, #tpu.memory_space<vmem>> -> memref<1x64xi32, #tpu.memory_space<vmem>>
    %dma_start3A_86 = tpu.memref_squeeze %dma_start3A_85 : memref<1x64xi32, #tpu.memory_space<vmem>> -> memref<64xi32, #tpu.memory_space<vmem>>
    %dma_start3A_87 = arith.constant 0 : i32
    %dma_start3A_88 = arith.constant 0 : i32
    %dma_start3A_89 = tpu.memref_slice %arg3[%dma_start3A_87, %dma_start3A_88] : memref<100000x128xf32, #tpu.memory_space<hbm>> -> memref<100000x128xf32, #tpu.memory_space<hbm>>
    %dma_start3A_90 = tpu.memref_slice %arg7[%dma_start3A_79] : memref<10x!tpu.dma_semaphore, #tpu.memory_space<semaphore_mem>> -> memref<1x!tpu.dma_semaphore, #tpu.memory_space<semaphore_mem>>
    %dma_start3A_91 = tpu.memref_squeeze %dma_start3A_90 : memref<1x!tpu.dma_semaphore, #tpu.memory_space<semaphore_mem>> -> memref<!tpu.dma_semaphore, #tpu.memory_space<semaphore_mem>>
    tpu.enqueue_indirect_dma source(%dma_start3A_89 : memref<100000x128xf32, #tpu.memory_space<hbm>>) target(%dma_start3A_83 : memref<64x128xf32, #tpu.memory_space<vmem>>) offsets(%dma_start3A_86 : memref<64xi32, #tpu.memory_space<vmem>>) semaphore(%dma_start3A_91 : memref<!tpu.dma_semaphore, #tpu.memory_space<semaphore_mem>>)
    %dma_start3A_92 = arith.constant 3 : i32
    %dma_start3A_93 = arith.constant 6 : i32
    %dma_start3A_94 = arith.constant 6 : i32
    %dma_start3A_95 = arith.constant 0 : i32
    %dma_start3A_96 = arith.constant 0 : i32
    %dma_start3A_97 = tpu.memref_slice %arg6[%dma_start3A_93, %dma_start3A_95, %dma_start3A_96] : memref<10x64x128xf32, #tpu.memory_space<vmem>> -> memref<1x64x128xf32, #tpu.memory_space<vmem>>
    %dma_start3A_98 = tpu.memref_squeeze %dma_start3A_97 : memref<1x64x128xf32, #tpu.memory_space<vmem>> -> memref<64x128xf32, #tpu.memory_space<vmem>>
    %dma_start3A_99 = arith.constant 0 : i32
    %dma_start3A_100 = tpu.memref_slice %arg5[%dma_start3A_92, %dma_start3A_99] : memref<50x128xi32, #tpu.memory_space<vmem>> -> memref<1x64xi32, #tpu.memory_space<vmem>>
    %dma_start3A_101 = tpu.memref_squeeze %dma_start3A_100 : memref<1x64xi32, #tpu.memory_space<vmem>> -> memref<64xi32, #tpu.memory_space<vmem>>
    %dma_start3A_102 = arith.constant 0 : i32
    %dma_start3A_103 = arith.constant 0 : i32
    %dma_start3A_104 = tpu.memref_slice %arg3[%dma_start3A_102, %dma_start3A_103] : memref<100000x128xf32, #tpu.memory_space<hbm>> -> memref<100000x128xf32, #tpu.memory_space<hbm>>
    %dma_start3A_105 = tpu.memref_slice %arg7[%dma_start3A_94] : memref<10x!tpu.dma_semaphore, #tpu.memory_space<semaphore_mem>> -> memref<1x!tpu.dma_semaphore, #tpu.memory_space<semaphore_mem>>
    %dma_start3A_106 = tpu.memref_squeeze %dma_start3A_105 : memref<1x!tpu.dma_semaphore, #tpu.memory_space<semaphore_mem>> -> memref<!tpu.dma_semaphore, #tpu.memory_space<semaphore_mem>>
    tpu.enqueue_indirect_dma source(%dma_start3A_104 : memref<100000x128xf32, #tpu.memory_space<hbm>>) target(%dma_start3A_98 : memref<64x128xf32, #tpu.memory_space<vmem>>) offsets(%dma_start3A_101 : memref<64xi32, #tpu.memory_space<vmem>>) semaphore(%dma_start3A_106 : memref<!tpu.dma_semaphore, #tpu.memory_space<semaphore_mem>>)
    %dma_start3A_107 = arith.constant 3 : i32
    %dma_start3A_108 = arith.constant 7 : i32
    %dma_start3A_109 = arith.constant 7 : i32
    %dma_start3A_110 = arith.constant 0 : i32
    %dma_start3A_111 = arith.constant 0 : i32
    %dma_start3A_112 = tpu.memref_slice %arg6[%dma_start3A_108, %dma_start3A_110, %dma_start3A_111] : memref<10x64x128xf32, #tpu.memory_space<vmem>> -> memref<1x64x128xf32, #tpu.memory_space<vmem>>
    %dma_start3A_113 = tpu.memref_squeeze %dma_start3A_112 : memref<1x64x128xf32, #tpu.memory_space<vmem>> -> memref<64x128xf32, #tpu.memory_space<vmem>>
    %dma_start3A_114 = arith.constant 64 : i32
    %dma_start3A_115 = tpu.memref_slice %arg5[%dma_start3A_107, %dma_start3A_114] : memref<50x128xi32, #tpu.memory_space<vmem>> -> memref<1x64xi32, #tpu.memory_space<vmem>>
    %dma_start3A_116 = tpu.memref_squeeze %dma_start3A_115 : memref<1x64xi32, #tpu.memory_space<vmem>> -> memref<64xi32, #tpu.memory_space<vmem>>
    %dma_start3A_117 = arith.constant 0 : i32
    %dma_start3A_118 = arith.constant 0 : i32
    %dma_start3A_119 = tpu.memref_slice %arg3[%dma_start3A_117, %dma_start3A_118] : memref<100000x128xf32, #tpu.memory_space<hbm>> -> memref<100000x128xf32, #tpu.memory_space<hbm>>
    %dma_start3A_120 = tpu.memref_slice %arg7[%dma_start3A_109] : memref<10x!tpu.dma_semaphore, #tpu.memory_space<semaphore_mem>> -> memref<1x!tpu.dma_semaphore, #tpu.memory_space<semaphore_mem>>
    %dma_start3A_121 = tpu.memref_squeeze %dma_start3A_120 : memref<1x!tpu.dma_semaphore, #tpu.memory_space<semaphore_mem>> -> memref<!tpu.dma_semaphore, #tpu.memory_space<semaphore_mem>>
    tpu.enqueue_indirect_dma source(%dma_start3A_119 : memref<100000x128xf32, #tpu.memory_space<hbm>>) target(%dma_start3A_113 : memref<64x128xf32, #tpu.memory_space<vmem>>) offsets(%dma_start3A_116 : memref<64xi32, #tpu.memory_space<vmem>>) semaphore(%dma_start3A_121 : memref<!tpu.dma_semaphore, #tpu.memory_space<semaphore_mem>>)
    %dma_start3A_122 = arith.constant 4 : i32
    %dma_start3A_123 = arith.constant 8 : i32
    %dma_start3A_124 = arith.constant 8 : i32
    %dma_start3A_125 = arith.constant 0 : i32
    %dma_start3A_126 = arith.constant 0 : i32
    %dma_start3A_127 = tpu.memref_slice %arg6[%dma_start3A_123, %dma_start3A_125, %dma_start3A_126] : memref<10x64x128xf32, #tpu.memory_space<vmem>> -> memref<1x64x128xf32, #tpu.memory_space<vmem>>
    %dma_start3A_128 = tpu.memref_squeeze %dma_start3A_127 : memref<1x64x128xf32, #tpu.memory_space<vmem>> -> memref<64x128xf32, #tpu.memory_space<vmem>>
    %dma_start3A_129 = arith.constant 0 : i32
    %dma_start3A_130 = tpu.memref_slice %arg5[%dma_start3A_122, %dma_start3A_129] : memref<50x128xi32, #tpu.memory_space<vmem>> -> memref<1x64xi32, #tpu.memory_space<vmem>>
    %dma_start3A_131 = tpu.memref_squeeze %dma_start3A_130 : memref<1x64xi32, #tpu.memory_space<vmem>> -> memref<64xi32, #tpu.memory_space<vmem>>
    %dma_start3A_132 = arith.constant 0 : i32
    %dma_start3A_133 = arith.constant 0 : i32
    %dma_start3A_134 = tpu.memref_slice %arg3[%dma_start3A_132, %dma_start3A_133] : memref<100000x128xf32, #tpu.memory_space<hbm>> -> memref<100000x128xf32, #tpu.memory_space<hbm>>
    %dma_start3A_135 = tpu.memref_slice %arg7[%dma_start3A_124] : memref<10x!tpu.dma_semaphore, #tpu.memory_space<semaphore_mem>> -> memref<1x!tpu.dma_semaphore, #tpu.memory_space<semaphore_mem>>
    %dma_start3A_136 = tpu.memref_squeeze %dma_start3A_135 : memref<1x!tpu.dma_semaphore, #tpu.memory_space<semaphore_mem>> -> memref<!tpu.dma_semaphore, #tpu.memory_space<semaphore_mem>>
    tpu.enqueue_indirect_dma source(%dma_start3A_134 : memref<100000x128xf32, #tpu.memory_space<hbm>>) target(%dma_start3A_128 : memref<64x128xf32, #tpu.memory_space<vmem>>) offsets(%dma_start3A_131 : memref<64xi32, #tpu.memory_space<vmem>>) semaphore(%dma_start3A_136 : memref<!tpu.dma_semaphore, #tpu.memory_space<semaphore_mem>>)
    %dma_start3A_137 = arith.constant 4 : i32
    %dma_start3A_138 = arith.constant 9 : i32
    %dma_start3A_139 = arith.constant 9 : i32
    %dma_start3A_140 = arith.constant 0 : i32
    %dma_start3A_141 = arith.constant 0 : i32
    %dma_start3A_142 = tpu.memref_slice %arg6[%dma_start3A_138, %dma_start3A_140, %dma_start3A_141] : memref<10x64x128xf32, #tpu.memory_space<vmem>> -> memref<1x64x128xf32, #tpu.memory_space<vmem>>
    %dma_start3A_143 = tpu.memref_squeeze %dma_start3A_142 : memref<1x64x128xf32, #tpu.memory_space<vmem>> -> memref<64x128xf32, #tpu.memory_space<vmem>>
    %dma_start3A_144 = arith.constant 64 : i32
    %dma_start3A_145 = tpu.memref_slice %arg5[%dma_start3A_137, %dma_start3A_144] : memref<50x128xi32, #tpu.memory_space<vmem>> -> memref<1x64xi32, #tpu.memory_space<vmem>>
    %dma_start3A_146 = tpu.memref_squeeze %dma_start3A_145 : memref<1x64xi32, #tpu.memory_space<vmem>> -> memref<64xi32, #tpu.memory_space<vmem>>
    %dma_start3A_147 = arith.constant 0 : i32
    %dma_start3A_148 = arith.constant 0 : i32
    %dma_start3A_149 = tpu.memref_slice %arg3[%dma_start3A_147, %dma_start3A_148] : memref<100000x128xf32, #tpu.memory_space<hbm>> -> memref<100000x128xf32, #tpu.memory_space<hbm>>
    %dma_start3A_150 = tpu.memref_slice %arg7[%dma_start3A_139] : memref<10x!tpu.dma_semaphore, #tpu.memory_space<semaphore_mem>> -> memref<1x!tpu.dma_semaphore, #tpu.memory_space<semaphore_mem>>
    %dma_start3A_151 = tpu.memref_squeeze %dma_start3A_150 : memref<1x!tpu.dma_semaphore, #tpu.memory_space<semaphore_mem>> -> memref<!tpu.dma_semaphore, #tpu.memory_space<semaphore_mem>>
    tpu.enqueue_indirect_dma source(%dma_start3A_149 : memref<100000x128xf32, #tpu.memory_space<hbm>>) target(%dma_start3A_143 : memref<64x128xf32, #tpu.memory_space<vmem>>) offsets(%dma_start3A_146 : memref<64xi32, #tpu.memory_space<vmem>>) semaphore(%dma_start3A_151 : memref<!tpu.dma_semaphore, #tpu.memory_space<semaphore_mem>>)
    %scan3A = arith.constant 0 : i32
    %scan3A_152 = arith.constant 0 : i32
    %scan3A_153 = arith.constant 10 : i32
    %scan3A_154 = arith.addi %scan3A_152, %scan3A_153 : i32
    %scan3A_155 = arith.constant 1 : i32
    scf.for %scan3A_157 = %scan3A_152 to %scan3A_154 step %scan3A_155  : i32 {
      %mul3A_158 = arith.constant 10 : i32
      %mul3A_159 = arith.muli %scan3A_157, %mul3A_158 : i32
      %add3A_160 = arith.constant 0 : i32
      %add3A_161 = arith.addi %mul3A_159, %add3A_160 : i32
      %jit3A = arith.constant 2 : i32
      %div3A = arith.divsi %add3A_161, %jit3A : i32
      %sign3A = arith.constant 0 : i32
      %sign3A_162 = arith.cmpi sgt, %add3A_161, %sign3A : i32
      %sign3A_163 = arith.extui %sign3A_162 : i1 to i32
      %sign3A_164 = arith.constant 0 : i32
      %sign3A_165 = arith.cmpi slt, %add3A_161, %sign3A_164 : i32
      %sign3A_166 = arith.extui %sign3A_165 : i1 to i32
      %sign3A_167 = arith.subi %sign3A_163, %sign3A_166 : i32
      %sign3A_168 = arith.constant 0 : i32
      %sign3A_169 = arith.cmpi sgt, %jit3A, %sign3A_168 : i32
      %sign3A_170 = arith.extui %sign3A_169 : i1 to i32
      %sign3A_171 = arith.constant 0 : i32
      %sign3A_172 = arith.cmpi slt, %jit3A, %sign3A_171 : i32
      %sign3A_173 = arith.extui %sign3A_172 : i1 to i32
      %sign3A_174 = arith.subi %sign3A_170, %sign3A_173 : i32
      %ne3A = arith.cmpi ne, %sign3A_167, %sign3A_174 : i32
      %rem3A = arith.remsi %add3A_161, %jit3A : i32
      %ne3A_175 = arith.constant 0 : i32
      %ne3A_176 = arith.cmpi ne, %rem3A, %ne3A_175 : i32
      %and3A = arith.andi %ne3A, %ne3A_176 : i1
      %sub3A = arith.constant 1 : i32
      %sub3A_177 = arith.subi %div3A, %sub3A : i32
      %select_n3A = arith.select %and3A, %sub3A_177, %div3A : i32
      %jit3A_178 = arith.constant 2 : i32
      %eq3A = arith.constant 0 : i32
      %eq3A_179 = arith.cmpi eq, %jit3A_178, %eq3A : i32
      %jit3A_180 = arith.constant 1 : i32
      %select_n3A_181 = arith.select %eq3A_179, %jit3A_180, %jit3A_178 : i32
      %rem3A_182 = arith.remsi %add3A_161, %select_n3A_181 : i32
      %ne3A_183 = arith.constant 0 : i32
      %ne3A_184 = arith.cmpi ne, %rem3A_182, %ne3A_183 : i32
      %lt3A = arith.constant 0 : i32
      %lt3A_185 = arith.cmpi slt, %rem3A_182, %lt3A : i32
      %lt3A_186 = arith.constant 0 : i32
      %lt3A_187 = arith.cmpi slt, %select_n3A_181, %lt3A_186 : i32
      %ne3A_188 = arith.xori %lt3A_185, %lt3A_187 : i1
      %and3A_189 = arith.andi %ne3A_188, %ne3A_184 : i1
      %add3A_190 = arith.addi %rem3A_182, %select_n3A_181 : i32
      %select_n3A_191 = arith.select %and3A_189, %add3A_190, %rem3A_182 : i32
      %dma_wait3A = arith.constant 0 : i32
      %dma_wait3A_192 = arith.constant 0 : i32
      %dma_wait3A_193 = arith.constant 0 : i32
      %dma_wait3A_194 = arith.constant 0 : i32
      %dma_wait3A_195 = arith.constant 0 : i32
      %dma_wait3A_196 = tpu.memref_slice %arg6[%dma_wait3A_192, %dma_wait3A_194, %dma_wait3A_195] : memref<10x64x128xf32, #tpu.memory_space<vmem>> -> memref<1x64x128xf32, #tpu.memory_space<vmem>>
      %dma_wait3A_197 = tpu.memref_squeeze %dma_wait3A_196 : memref<1x64x128xf32, #tpu.memory_space<vmem>> -> memref<64x128xf32, #tpu.memory_space<vmem>>
      %dma_wait3A_198 = arith.constant 0 : i32
      %dma_wait3A_199 = arith.constant 0 : i32
      %dma_wait3A_200 = tpu.memref_slice %arg4[%dma_wait3A, %dma_wait3A_198, %dma_wait3A_199] : memref<50x4096x128xf32, #tpu.memory_space<hbm>> -> memref<1x64x128xf32, #tpu.memory_space<hbm>>
      %dma_wait3A_201 = tpu.memref_squeeze %dma_wait3A_200 : memref<1x64x128xf32, #tpu.memory_space<hbm>> -> memref<64x128xf32, #tpu.memory_space<hbm>>
      %dma_wait3A_202 = tpu.memref_slice %arg7[%dma_wait3A_193] : memref<10x!tpu.dma_semaphore, #tpu.memory_space<semaphore_mem>> -> memref<1x!tpu.dma_semaphore, #tpu.memory_space<semaphore_mem>>
      %dma_wait3A_203 = tpu.memref_squeeze %dma_wait3A_202 : memref<1x!tpu.dma_semaphore, #tpu.memory_space<semaphore_mem>> -> memref<!tpu.dma_semaphore, #tpu.memory_space<semaphore_mem>>
      %dma_wait3A_204 = arith.constant 0 : i32
      %dma_wait3A_205 = arith.constant 0 : i32
      %dma_wait3A_206 = tpu.memref_slice %arg6[%dma_wait3A_192, %dma_wait3A_204, %dma_wait3A_205] : memref<10x64x128xf32, #tpu.memory_space<vmem>> -> memref<1x64x128xf32, #tpu.memory_space<vmem>>
      %dma_wait3A_207 = tpu.memref_squeeze %dma_wait3A_206 : memref<1x64x128xf32, #tpu.memory_space<vmem>> -> memref<64x128xf32, #tpu.memory_space<vmem>>
      %dma_wait3A_208 = arith.constant 0 : i32
      %dma_wait3A_209 = arith.constant 0 : i32
      %dma_wait3A_210 = tpu.memref_slice %arg4[%dma_wait3A, %dma_wait3A_208, %dma_wait3A_209] : memref<50x4096x128xf32, #tpu.memory_space<hbm>> -> memref<1x64x128xf32, #tpu.memory_space<hbm>>
      %dma_wait3A_211 = tpu.memref_squeeze %dma_wait3A_210 : memref<1x64x128xf32, #tpu.memory_space<hbm>> -> memref<64x128xf32, #tpu.memory_space<hbm>>
      tpu.wait_dma2 semaphore(%dma_wait3A_203 : memref<!tpu.dma_semaphore, #tpu.memory_space<semaphore_mem>>) src(%dma_wait3A_211 : memref<64x128xf32, #tpu.memory_space<hbm>>) dst(%dma_wait3A_207 : memref<64x128xf32, #tpu.memory_space<vmem>>)
      %mul3A_212 = arith.constant 64 : i32
      %mul3A_213 = arith.muli %select_n3A_191, %mul3A_212 : i32
      %add3A_214 = arith.addi %mul3A_2, %mul3A_213 : i32
      %dma_start3A_215 = arith.constant 0 : i32
      %dma_start3A_216 = arith.constant 0 : i32
      %dma_start3A_217 = arith.constant 0 : i32
      %dma_start3A_218 = arith.constant 0 : i32
      %dma_start3A_219 = tpu.memref_slice %arg6[%dma_start3A_215, %dma_start3A_217, %dma_start3A_218] : memref<10x64x128xf32, #tpu.memory_space<vmem>> -> memref<1x64x128xf32, #tpu.memory_space<vmem>>
      %dma_start3A_220 = tpu.memref_squeeze %dma_start3A_219 : memref<1x64x128xf32, #tpu.memory_space<vmem>> -> memref<64x128xf32, #tpu.memory_space<vmem>>
      %dma_start3A_221 = arith.constant 0 : i32
      %dma_start3A_222 = tpu.memref_slice %arg4[%select_n3A, %add3A_214, %dma_start3A_221] : memref<50x4096x128xf32, #tpu.memory_space<hbm>> -> memref<1x64x128xf32, #tpu.memory_space<hbm>>
      %dma_start3A_223 = tpu.memref_squeeze %dma_start3A_222 : memref<1x64x128xf32, #tpu.memory_space<hbm>> -> memref<64x128xf32, #tpu.memory_space<hbm>>
      %dma_start3A_224 = tpu.memref_slice %arg8[%dma_start3A_216] : memref<10x!tpu.dma_semaphore, #tpu.memory_space<semaphore_mem>> -> memref<1x!tpu.dma_semaphore, #tpu.memory_space<semaphore_mem>>
      %dma_start3A_225 = tpu.memref_squeeze %dma_start3A_224 : memref<1x!tpu.dma_semaphore, #tpu.memory_space<semaphore_mem>> -> memref<!tpu.dma_semaphore, #tpu.memory_space<semaphore_mem>>
      %dma_start3A_226 = arith.constant 0 : i32
      %dma_start3A_227 = tpu.memref_slice %arg4[%select_n3A, %add3A_214, %dma_start3A_226] : memref<50x4096x128xf32, #tpu.memory_space<hbm>> -> memref<1x64x128xf32, #tpu.memory_space<hbm>>
      %dma_start3A_228 = tpu.memref_squeeze %dma_start3A_227 : memref<1x64x128xf32, #tpu.memory_space<hbm>> -> memref<64x128xf32, #tpu.memory_space<hbm>>
      %dma_start3A_229 = arith.constant 0 : i32
      %dma_start3A_230 = arith.constant 0 : i32
      %dma_start3A_231 = tpu.memref_slice %arg6[%dma_start3A_215, %dma_start3A_229, %dma_start3A_230] : memref<10x64x128xf32, #tpu.memory_space<vmem>> -> memref<1x64x128xf32, #tpu.memory_space<vmem>>
      %dma_start3A_232 = tpu.memref_squeeze %dma_start3A_231 : memref<1x64x128xf32, #tpu.memory_space<vmem>> -> memref<64x128xf32, #tpu.memory_space<vmem>>
      tpu.enqueue_dma source(%dma_start3A_232 : memref<64x128xf32, #tpu.memory_space<vmem>>) target(%dma_start3A_228 : memref<64x128xf32, #tpu.memory_space<hbm>>) target_semaphore(%dma_start3A_225 : memref<!tpu.dma_semaphore, #tpu.memory_space<semaphore_mem>>)
      %add3A_233 = arith.constant 1 : i32
      %add3A_234 = arith.addi %mul3A_159, %add3A_233 : i32
      %jit3A_235 = arith.constant 2 : i32
      %div3A_236 = arith.divsi %add3A_234, %jit3A_235 : i32
      %sign3A_237 = arith.constant 0 : i32
      %sign3A_238 = arith.cmpi sgt, %add3A_234, %sign3A_237 : i32
      %sign3A_239 = arith.extui %sign3A_238 : i1 to i32
      %sign3A_240 = arith.constant 0 : i32
      %sign3A_241 = arith.cmpi slt, %add3A_234, %sign3A_240 : i32
      %sign3A_242 = arith.extui %sign3A_241 : i1 to i32
      %sign3A_243 = arith.subi %sign3A_239, %sign3A_242 : i32
      %sign3A_244 = arith.constant 0 : i32
      %sign3A_245 = arith.cmpi sgt, %jit3A_235, %sign3A_244 : i32
      %sign3A_246 = arith.extui %sign3A_245 : i1 to i32
      %sign3A_247 = arith.constant 0 : i32
      %sign3A_248 = arith.cmpi slt, %jit3A_235, %sign3A_247 : i32
      %sign3A_249 = arith.extui %sign3A_248 : i1 to i32
      %sign3A_250 = arith.subi %sign3A_246, %sign3A_249 : i32
      %ne3A_251 = arith.cmpi ne, %sign3A_243, %sign3A_250 : i32
      %rem3A_252 = arith.remsi %add3A_234, %jit3A_235 : i32
      %ne3A_253 = arith.constant 0 : i32
      %ne3A_254 = arith.cmpi ne, %rem3A_252, %ne3A_253 : i32
      %and3A_255 = arith.andi %ne3A_251, %ne3A_254 : i1
      %sub3A_256 = arith.constant 1 : i32
      %sub3A_257 = arith.subi %div3A_236, %sub3A_256 : i32
      %select_n3A_258 = arith.select %and3A_255, %sub3A_257, %div3A_236 : i32
      %jit3A_259 = arith.constant 2 : i32
      %eq3A_260 = arith.constant 0 : i32
      %eq3A_261 = arith.cmpi eq, %jit3A_259, %eq3A_260 : i32
      %jit3A_262 = arith.constant 1 : i32
      %select_n3A_263 = arith.select %eq3A_261, %jit3A_262, %jit3A_259 : i32
      %rem3A_264 = arith.remsi %add3A_234, %select_n3A_263 : i32
      %ne3A_265 = arith.constant 0 : i32
      %ne3A_266 = arith.cmpi ne, %rem3A_264, %ne3A_265 : i32
      %lt3A_267 = arith.constant 0 : i32
      %lt3A_268 = arith.cmpi slt, %rem3A_264, %lt3A_267 : i32
      %lt3A_269 = arith.constant 0 : i32
      %lt3A_270 = arith.cmpi slt, %select_n3A_263, %lt3A_269 : i32
      %ne3A_271 = arith.xori %lt3A_268, %lt3A_270 : i1
      %and3A_272 = arith.andi %ne3A_271, %ne3A_266 : i1
      %add3A_273 = arith.addi %rem3A_264, %select_n3A_263 : i32
      %select_n3A_274 = arith.select %and3A_272, %add3A_273, %rem3A_264 : i32
      %dma_wait3A_275 = arith.constant 0 : i32
      %dma_wait3A_276 = arith.constant 1 : i32
      %dma_wait3A_277 = arith.constant 1 : i32
      %dma_wait3A_278 = arith.constant 0 : i32
      %dma_wait3A_279 = arith.constant 0 : i32
      %dma_wait3A_280 = tpu.memref_slice %arg6[%dma_wait3A_276, %dma_wait3A_278, %dma_wait3A_279] : memref<10x64x128xf32, #tpu.memory_space<vmem>> -> memref<1x64x128xf32, #tpu.memory_space<vmem>>
      %dma_wait3A_281 = tpu.memref_squeeze %dma_wait3A_280 : memref<1x64x128xf32, #tpu.memory_space<vmem>> -> memref<64x128xf32, #tpu.memory_space<vmem>>
      %dma_wait3A_282 = arith.constant 0 : i32
      %dma_wait3A_283 = arith.constant 0 : i32
      %dma_wait3A_284 = tpu.memref_slice %arg4[%dma_wait3A_275, %dma_wait3A_282, %dma_wait3A_283] : memref<50x4096x128xf32, #tpu.memory_space<hbm>> -> memref<1x64x128xf32, #tpu.memory_space<hbm>>
      %dma_wait3A_285 = tpu.memref_squeeze %dma_wait3A_284 : memref<1x64x128xf32, #tpu.memory_space<hbm>> -> memref<64x128xf32, #tpu.memory_space<hbm>>
      %dma_wait3A_286 = tpu.memref_slice %arg7[%dma_wait3A_277] : memref<10x!tpu.dma_semaphore, #tpu.memory_space<semaphore_mem>> -> memref<1x!tpu.dma_semaphore, #tpu.memory_space<semaphore_mem>>
      %dma_wait3A_287 = tpu.memref_squeeze %dma_wait3A_286 : memref<1x!tpu.dma_semaphore, #tpu.memory_space<semaphore_mem>> -> memref<!tpu.dma_semaphore, #tpu.memory_space<semaphore_mem>>
      %dma_wait3A_288 = arith.constant 0 : i32
      %dma_wait3A_289 = arith.constant 0 : i32
      %dma_wait3A_290 = tpu.memref_slice %arg6[%dma_wait3A_276, %dma_wait3A_288, %dma_wait3A_289] : memref<10x64x128xf32, #tpu.memory_space<vmem>> -> memref<1x64x128xf32, #tpu.memory_space<vmem>>
      %dma_wait3A_291 = tpu.memref_squeeze %dma_wait3A_290 : memref<1x64x128xf32, #tpu.memory_space<vmem>> -> memref<64x128xf32, #tpu.memory_space<vmem>>
      %dma_wait3A_292 = arith.constant 0 : i32
      %dma_wait3A_293 = arith.constant 0 : i32
      %dma_wait3A_294 = tpu.memref_slice %arg4[%dma_wait3A_275, %dma_wait3A_292, %dma_wait3A_293] : memref<50x4096x128xf32, #tpu.memory_space<hbm>> -> memref<1x64x128xf32, #tpu.memory_space<hbm>>
      %dma_wait3A_295 = tpu.memref_squeeze %dma_wait3A_294 : memref<1x64x128xf32, #tpu.memory_space<hbm>> -> memref<64x128xf32, #tpu.memory_space<hbm>>
      tpu.wait_dma2 semaphore(%dma_wait3A_287 : memref<!tpu.dma_semaphore, #tpu.memory_space<semaphore_mem>>) src(%dma_wait3A_295 : memref<64x128xf32, #tpu.memory_space<hbm>>) dst(%dma_wait3A_291 : memref<64x128xf32, #tpu.memory_space<vmem>>)
      %mul3A_296 = arith.constant 64 : i32
      %mul3A_297 = arith.muli %select_n3A_274, %mul3A_296 : i32
      %add3A_298 = arith.addi %mul3A_2, %mul3A_297 : i32
      %dma_start3A_299 = arith.constant 1 : i32
      %dma_start3A_300 = arith.constant 1 : i32
      %dma_start3A_301 = arith.constant 0 : i32
      %dma_start3A_302 = arith.constant 0 : i32
      %dma_start3A_303 = tpu.memref_slice %arg6[%dma_start3A_299, %dma_start3A_301, %dma_start3A_302] : memref<10x64x128xf32, #tpu.memory_space<vmem>> -> memref<1x64x128xf32, #tpu.memory_space<vmem>>
      %dma_start3A_304 = tpu.memref_squeeze %dma_start3A_303 : memref<1x64x128xf32, #tpu.memory_space<vmem>> -> memref<64x128xf32, #tpu.memory_space<vmem>>
      %dma_start3A_305 = arith.constant 0 : i32
      %dma_start3A_306 = tpu.memref_slice %arg4[%select_n3A_258, %add3A_298, %dma_start3A_305] : memref<50x4096x128xf32, #tpu.memory_space<hbm>> -> memref<1x64x128xf32, #tpu.memory_space<hbm>>
      %dma_start3A_307 = tpu.memref_squeeze %dma_start3A_306 : memref<1x64x128xf32, #tpu.memory_space<hbm>> -> memref<64x128xf32, #tpu.memory_space<hbm>>
      %dma_start3A_308 = tpu.memref_slice %arg8[%dma_start3A_300] : memref<10x!tpu.dma_semaphore, #tpu.memory_space<semaphore_mem>> -> memref<1x!tpu.dma_semaphore, #tpu.memory_space<semaphore_mem>>
      %dma_start3A_309 = tpu.memref_squeeze %dma_start3A_308 : memref<1x!tpu.dma_semaphore, #tpu.memory_space<semaphore_mem>> -> memref<!tpu.dma_semaphore, #tpu.memory_space<semaphore_mem>>
      %dma_start3A_310 = arith.constant 0 : i32
      %dma_start3A_311 = tpu.memref_slice %arg4[%select_n3A_258, %add3A_298, %dma_start3A_310] : memref<50x4096x128xf32, #tpu.memory_space<hbm>> -> memref<1x64x128xf32, #tpu.memory_space<hbm>>
      %dma_start3A_312 = tpu.memref_squeeze %dma_start3A_311 : memref<1x64x128xf32, #tpu.memory_space<hbm>> -> memref<64x128xf32, #tpu.memory_space<hbm>>
      %dma_start3A_313 = arith.constant 0 : i32
      %dma_start3A_314 = arith.constant 0 : i32
      %dma_start3A_315 = tpu.memref_slice %arg6[%dma_start3A_299, %dma_start3A_313, %dma_start3A_314] : memref<10x64x128xf32, #tpu.memory_space<vmem>> -> memref<1x64x128xf32, #tpu.memory_space<vmem>>
      %dma_start3A_316 = tpu.memref_squeeze %dma_start3A_315 : memref<1x64x128xf32, #tpu.memory_space<vmem>> -> memref<64x128xf32, #tpu.memory_space<vmem>>
      tpu.enqueue_dma source(%dma_start3A_316 : memref<64x128xf32, #tpu.memory_space<vmem>>) target(%dma_start3A_312 : memref<64x128xf32, #tpu.memory_space<hbm>>) target_semaphore(%dma_start3A_309 : memref<!tpu.dma_semaphore, #tpu.memory_space<semaphore_mem>>)
      %add3A_317 = arith.constant 2 : i32
      %add3A_318 = arith.addi %mul3A_159, %add3A_317 : i32
      %jit3A_319 = arith.constant 2 : i32
      %div3A_320 = arith.divsi %add3A_318, %jit3A_319 : i32
      %sign3A_321 = arith.constant 0 : i32
      %sign3A_322 = arith.cmpi sgt, %add3A_318, %sign3A_321 : i32
      %sign3A_323 = arith.extui %sign3A_322 : i1 to i32
      %sign3A_324 = arith.constant 0 : i32
      %sign3A_325 = arith.cmpi slt, %add3A_318, %sign3A_324 : i32
      %sign3A_326 = arith.extui %sign3A_325 : i1 to i32
      %sign3A_327 = arith.subi %sign3A_323, %sign3A_326 : i32
      %sign3A_328 = arith.constant 0 : i32
      %sign3A_329 = arith.cmpi sgt, %jit3A_319, %sign3A_328 : i32
      %sign3A_330 = arith.extui %sign3A_329 : i1 to i32
      %sign3A_331 = arith.constant 0 : i32
      %sign3A_332 = arith.cmpi slt, %jit3A_319, %sign3A_331 : i32
      %sign3A_333 = arith.extui %sign3A_332 : i1 to i32
      %sign3A_334 = arith.subi %sign3A_330, %sign3A_333 : i32
      %ne3A_335 = arith.cmpi ne, %sign3A_327, %sign3A_334 : i32
      %rem3A_336 = arith.remsi %add3A_318, %jit3A_319 : i32
      %ne3A_337 = arith.constant 0 : i32
      %ne3A_338 = arith.cmpi ne, %rem3A_336, %ne3A_337 : i32
      %and3A_339 = arith.andi %ne3A_335, %ne3A_338 : i1
      %sub3A_340 = arith.constant 1 : i32
      %sub3A_341 = arith.subi %div3A_320, %sub3A_340 : i32
      %select_n3A_342 = arith.select %and3A_339, %sub3A_341, %div3A_320 : i32
      %jit3A_343 = arith.constant 2 : i32
      %eq3A_344 = arith.constant 0 : i32
      %eq3A_345 = arith.cmpi eq, %jit3A_343, %eq3A_344 : i32
      %jit3A_346 = arith.constant 1 : i32
      %select_n3A_347 = arith.select %eq3A_345, %jit3A_346, %jit3A_343 : i32
      %rem3A_348 = arith.remsi %add3A_318, %select_n3A_347 : i32
      %ne3A_349 = arith.constant 0 : i32
      %ne3A_350 = arith.cmpi ne, %rem3A_348, %ne3A_349 : i32
      %lt3A_351 = arith.constant 0 : i32
      %lt3A_352 = arith.cmpi slt, %rem3A_348, %lt3A_351 : i32
      %lt3A_353 = arith.constant 0 : i32
      %lt3A_354 = arith.cmpi slt, %select_n3A_347, %lt3A_353 : i32
      %ne3A_355 = arith.xori %lt3A_352, %lt3A_354 : i1
      %and3A_356 = arith.andi %ne3A_355, %ne3A_350 : i1
      %add3A_357 = arith.addi %rem3A_348, %select_n3A_347 : i32
      %select_n3A_358 = arith.select %and3A_356, %add3A_357, %rem3A_348 : i32
      %dma_wait3A_359 = arith.constant 0 : i32
      %dma_wait3A_360 = arith.constant 2 : i32
      %dma_wait3A_361 = arith.constant 2 : i32
      %dma_wait3A_362 = arith.constant 0 : i32
      %dma_wait3A_363 = arith.constant 0 : i32
      %dma_wait3A_364 = tpu.memref_slice %arg6[%dma_wait3A_360, %dma_wait3A_362, %dma_wait3A_363] : memref<10x64x128xf32, #tpu.memory_space<vmem>> -> memref<1x64x128xf32, #tpu.memory_space<vmem>>
      %dma_wait3A_365 = tpu.memref_squeeze %dma_wait3A_364 : memref<1x64x128xf32, #tpu.memory_space<vmem>> -> memref<64x128xf32, #tpu.memory_space<vmem>>
      %dma_wait3A_366 = arith.constant 0 : i32
      %dma_wait3A_367 = arith.constant 0 : i32
      %dma_wait3A_368 = tpu.memref_slice %arg4[%dma_wait3A_359, %dma_wait3A_366, %dma_wait3A_367] : memref<50x4096x128xf32, #tpu.memory_space<hbm>> -> memref<1x64x128xf32, #tpu.memory_space<hbm>>
      %dma_wait3A_369 = tpu.memref_squeeze %dma_wait3A_368 : memref<1x64x128xf32, #tpu.memory_space<hbm>> -> memref<64x128xf32, #tpu.memory_space<hbm>>
      %dma_wait3A_370 = tpu.memref_slice %arg7[%dma_wait3A_361] : memref<10x!tpu.dma_semaphore, #tpu.memory_space<semaphore_mem>> -> memref<1x!tpu.dma_semaphore, #tpu.memory_space<semaphore_mem>>
      %dma_wait3A_371 = tpu.memref_squeeze %dma_wait3A_370 : memref<1x!tpu.dma_semaphore, #tpu.memory_space<semaphore_mem>> -> memref<!tpu.dma_semaphore, #tpu.memory_space<semaphore_mem>>
      %dma_wait3A_372 = arith.constant 0 : i32
      %dma_wait3A_373 = arith.constant 0 : i32
      %dma_wait3A_374 = tpu.memref_slice %arg6[%dma_wait3A_360, %dma_wait3A_372, %dma_wait3A_373] : memref<10x64x128xf32, #tpu.memory_space<vmem>> -> memref<1x64x128xf32, #tpu.memory_space<vmem>>
      %dma_wait3A_375 = tpu.memref_squeeze %dma_wait3A_374 : memref<1x64x128xf32, #tpu.memory_space<vmem>> -> memref<64x128xf32, #tpu.memory_space<vmem>>
      %dma_wait3A_376 = arith.constant 0 : i32
      %dma_wait3A_377 = arith.constant 0 : i32
      %dma_wait3A_378 = tpu.memref_slice %arg4[%dma_wait3A_359, %dma_wait3A_376, %dma_wait3A_377] : memref<50x4096x128xf32, #tpu.memory_space<hbm>> -> memref<1x64x128xf32, #tpu.memory_space<hbm>>
      %dma_wait3A_379 = tpu.memref_squeeze %dma_wait3A_378 : memref<1x64x128xf32, #tpu.memory_space<hbm>> -> memref<64x128xf32, #tpu.memory_space<hbm>>
      tpu.wait_dma2 semaphore(%dma_wait3A_371 : memref<!tpu.dma_semaphore, #tpu.memory_space<semaphore_mem>>) src(%dma_wait3A_379 : memref<64x128xf32, #tpu.memory_space<hbm>>) dst(%dma_wait3A_375 : memref<64x128xf32, #tpu.memory_space<vmem>>)
      %mul3A_380 = arith.constant 64 : i32
      %mul3A_381 = arith.muli %select_n3A_358, %mul3A_380 : i32
      %add3A_382 = arith.addi %mul3A_2, %mul3A_381 : i32
      %dma_start3A_383 = arith.constant 2 : i32
      %dma_start3A_384 = arith.constant 2 : i32
      %dma_start3A_385 = arith.constant 0 : i32
      %dma_start3A_386 = arith.constant 0 : i32
      %dma_start3A_387 = tpu.memref_slice %arg6[%dma_start3A_383, %dma_start3A_385, %dma_start3A_386] : memref<10x64x128xf32, #tpu.memory_space<vmem>> -> memref<1x64x128xf32, #tpu.memory_space<vmem>>
      %dma_start3A_388 = tpu.memref_squeeze %dma_start3A_387 : memref<1x64x128xf32, #tpu.memory_space<vmem>> -> memref<64x128xf32, #tpu.memory_space<vmem>>
      %dma_start3A_389 = arith.constant 0 : i32
      %dma_start3A_390 = tpu.memref_slice %arg4[%select_n3A_342, %add3A_382, %dma_start3A_389] : memref<50x4096x128xf32, #tpu.memory_space<hbm>> -> memref<1x64x128xf32, #tpu.memory_space<hbm>>
      %dma_start3A_391 = tpu.memref_squeeze %dma_start3A_390 : memref<1x64x128xf32, #tpu.memory_space<hbm>> -> memref<64x128xf32, #tpu.memory_space<hbm>>
      %dma_start3A_392 = tpu.memref_slice %arg8[%dma_start3A_384] : memref<10x!tpu.dma_semaphore, #tpu.memory_space<semaphore_mem>> -> memref<1x!tpu.dma_semaphore, #tpu.memory_space<semaphore_mem>>
      %dma_start3A_393 = tpu.memref_squeeze %dma_start3A_392 : memref<1x!tpu.dma_semaphore, #tpu.memory_space<semaphore_mem>> -> memref<!tpu.dma_semaphore, #tpu.memory_space<semaphore_mem>>
      %dma_start3A_394 = arith.constant 0 : i32
      %dma_start3A_395 = tpu.memref_slice %arg4[%select_n3A_342, %add3A_382, %dma_start3A_394] : memref<50x4096x128xf32, #tpu.memory_space<hbm>> -> memref<1x64x128xf32, #tpu.memory_space<hbm>>
      %dma_start3A_396 = tpu.memref_squeeze %dma_start3A_395 : memref<1x64x128xf32, #tpu.memory_space<hbm>> -> memref<64x128xf32, #tpu.memory_space<hbm>>
      %dma_start3A_397 = arith.constant 0 : i32
      %dma_start3A_398 = arith.constant 0 : i32
      %dma_start3A_399 = tpu.memref_slice %arg6[%dma_start3A_383, %dma_start3A_397, %dma_start3A_398] : memref<10x64x128xf32, #tpu.memory_space<vmem>> -> memref<1x64x128xf32, #tpu.memory_space<vmem>>
      %dma_start3A_400 = tpu.memref_squeeze %dma_start3A_399 : memref<1x64x128xf32, #tpu.memory_space<vmem>> -> memref<64x128xf32, #tpu.memory_space<vmem>>
      tpu.enqueue_dma source(%dma_start3A_400 : memref<64x128xf32, #tpu.memory_space<vmem>>) target(%dma_start3A_396 : memref<64x128xf32, #tpu.memory_space<hbm>>) target_semaphore(%dma_start3A_393 : memref<!tpu.dma_semaphore, #tpu.memory_space<semaphore_mem>>)
      %add3A_401 = arith.constant 3 : i32
      %add3A_402 = arith.addi %mul3A_159, %add3A_401 : i32
      %jit3A_403 = arith.constant 2 : i32
      %div3A_404 = arith.divsi %add3A_402, %jit3A_403 : i32
      %sign3A_405 = arith.constant 0 : i32
      %sign3A_406 = arith.cmpi sgt, %add3A_402, %sign3A_405 : i32
      %sign3A_407 = arith.extui %sign3A_406 : i1 to i32
      %sign3A_408 = arith.constant 0 : i32
      %sign3A_409 = arith.cmpi slt, %add3A_402, %sign3A_408 : i32
      %sign3A_410 = arith.extui %sign3A_409 : i1 to i32
      %sign3A_411 = arith.subi %sign3A_407, %sign3A_410 : i32
      %sign3A_412 = arith.constant 0 : i32
      %sign3A_413 = arith.cmpi sgt, %jit3A_403, %sign3A_412 : i32
      %sign3A_414 = arith.extui %sign3A_413 : i1 to i32
      %sign3A_415 = arith.constant 0 : i32
      %sign3A_416 = arith.cmpi slt, %jit3A_403, %sign3A_415 : i32
      %sign3A_417 = arith.extui %sign3A_416 : i1 to i32
      %sign3A_418 = arith.subi %sign3A_414, %sign3A_417 : i32
      %ne3A_419 = arith.cmpi ne, %sign3A_411, %sign3A_418 : i32
      %rem3A_420 = arith.remsi %add3A_402, %jit3A_403 : i32
      %ne3A_421 = arith.constant 0 : i32
      %ne3A_422 = arith.cmpi ne, %rem3A_420, %ne3A_421 : i32
      %and3A_423 = arith.andi %ne3A_419, %ne3A_422 : i1
      %sub3A_424 = arith.constant 1 : i32
      %sub3A_425 = arith.subi %div3A_404, %sub3A_424 : i32
      %select_n3A_426 = arith.select %and3A_423, %sub3A_425, %div3A_404 : i32
      %jit3A_427 = arith.constant 2 : i32
      %eq3A_428 = arith.constant 0 : i32
      %eq3A_429 = arith.cmpi eq, %jit3A_427, %eq3A_428 : i32
      %jit3A_430 = arith.constant 1 : i32
      %select_n3A_431 = arith.select %eq3A_429, %jit3A_430, %jit3A_427 : i32
      %rem3A_432 = arith.remsi %add3A_402, %select_n3A_431 : i32
      %ne3A_433 = arith.constant 0 : i32
      %ne3A_434 = arith.cmpi ne, %rem3A_432, %ne3A_433 : i32
      %lt3A_435 = arith.constant 0 : i32
      %lt3A_436 = arith.cmpi slt, %rem3A_432, %lt3A_435 : i32
      %lt3A_437 = arith.constant 0 : i32
      %lt3A_438 = arith.cmpi slt, %select_n3A_431, %lt3A_437 : i32
      %ne3A_439 = arith.xori %lt3A_436, %lt3A_438 : i1
      %and3A_440 = arith.andi %ne3A_439, %ne3A_434 : i1
      %add3A_441 = arith.addi %rem3A_432, %select_n3A_431 : i32
      %select_n3A_442 = arith.select %and3A_440, %add3A_441, %rem3A_432 : i32
      %dma_wait3A_443 = arith.constant 0 : i32
      %dma_wait3A_444 = arith.constant 3 : i32
      %dma_wait3A_445 = arith.constant 3 : i32
      %dma_wait3A_446 = arith.constant 0 : i32
      %dma_wait3A_447 = arith.constant 0 : i32
      %dma_wait3A_448 = tpu.memref_slice %arg6[%dma_wait3A_444, %dma_wait3A_446, %dma_wait3A_447] : memref<10x64x128xf32, #tpu.memory_space<vmem>> -> memref<1x64x128xf32, #tpu.memory_space<vmem>>
      %dma_wait3A_449 = tpu.memref_squeeze %dma_wait3A_448 : memref<1x64x128xf32, #tpu.memory_space<vmem>> -> memref<64x128xf32, #tpu.memory_space<vmem>>
      %dma_wait3A_450 = arith.constant 0 : i32
      %dma_wait3A_451 = arith.constant 0 : i32
      %dma_wait3A_452 = tpu.memref_slice %arg4[%dma_wait3A_443, %dma_wait3A_450, %dma_wait3A_451] : memref<50x4096x128xf32, #tpu.memory_space<hbm>> -> memref<1x64x128xf32, #tpu.memory_space<hbm>>
      %dma_wait3A_453 = tpu.memref_squeeze %dma_wait3A_452 : memref<1x64x128xf32, #tpu.memory_space<hbm>> -> memref<64x128xf32, #tpu.memory_space<hbm>>
      %dma_wait3A_454 = tpu.memref_slice %arg7[%dma_wait3A_445] : memref<10x!tpu.dma_semaphore, #tpu.memory_space<semaphore_mem>> -> memref<1x!tpu.dma_semaphore, #tpu.memory_space<semaphore_mem>>
      %dma_wait3A_455 = tpu.memref_squeeze %dma_wait3A_454 : memref<1x!tpu.dma_semaphore, #tpu.memory_space<semaphore_mem>> -> memref<!tpu.dma_semaphore, #tpu.memory_space<semaphore_mem>>
      %dma_wait3A_456 = arith.constant 0 : i32
      %dma_wait3A_457 = arith.constant 0 : i32
      %dma_wait3A_458 = tpu.memref_slice %arg6[%dma_wait3A_444, %dma_wait3A_456, %dma_wait3A_457] : memref<10x64x128xf32, #tpu.memory_space<vmem>> -> memref<1x64x128xf32, #tpu.memory_space<vmem>>
      %dma_wait3A_459 = tpu.memref_squeeze %dma_wait3A_458 : memref<1x64x128xf32, #tpu.memory_space<vmem>> -> memref<64x128xf32, #tpu.memory_space<vmem>>
      %dma_wait3A_460 = arith.constant 0 : i32
      %dma_wait3A_461 = arith.constant 0 : i32
      %dma_wait3A_462 = tpu.memref_slice %arg4[%dma_wait3A_443, %dma_wait3A_460, %dma_wait3A_461] : memref<50x4096x128xf32, #tpu.memory_space<hbm>> -> memref<1x64x128xf32, #tpu.memory_space<hbm>>
      %dma_wait3A_463 = tpu.memref_squeeze %dma_wait3A_462 : memref<1x64x128xf32, #tpu.memory_space<hbm>> -> memref<64x128xf32, #tpu.memory_space<hbm>>
      tpu.wait_dma2 semaphore(%dma_wait3A_455 : memref<!tpu.dma_semaphore, #tpu.memory_space<semaphore_mem>>) src(%dma_wait3A_463 : memref<64x128xf32, #tpu.memory_space<hbm>>) dst(%dma_wait3A_459 : memref<64x128xf32, #tpu.memory_space<vmem>>)
      %mul3A_464 = arith.constant 64 : i32
      %mul3A_465 = arith.muli %select_n3A_442, %mul3A_464 : i32
      %add3A_466 = arith.addi %mul3A_2, %mul3A_465 : i32
      %dma_start3A_467 = arith.constant 3 : i32
      %dma_start3A_468 = arith.constant 3 : i32
      %dma_start3A_469 = arith.constant 0 : i32
      %dma_start3A_470 = arith.constant 0 : i32
      %dma_start3A_471 = tpu.memref_slice %arg6[%dma_start3A_467, %dma_start3A_469, %dma_start3A_470] : memref<10x64x128xf32, #tpu.memory_space<vmem>> -> memref<1x64x128xf32, #tpu.memory_space<vmem>>
      %dma_start3A_472 = tpu.memref_squeeze %dma_start3A_471 : memref<1x64x128xf32, #tpu.memory_space<vmem>> -> memref<64x128xf32, #tpu.memory_space<vmem>>
      %dma_start3A_473 = arith.constant 0 : i32
      %dma_start3A_474 = tpu.memref_slice %arg4[%select_n3A_426, %add3A_466, %dma_start3A_473] : memref<50x4096x128xf32, #tpu.memory_space<hbm>> -> memref<1x64x128xf32, #tpu.memory_space<hbm>>
      %dma_start3A_475 = tpu.memref_squeeze %dma_start3A_474 : memref<1x64x128xf32, #tpu.memory_space<hbm>> -> memref<64x128xf32, #tpu.memory_space<hbm>>
      %dma_start3A_476 = tpu.memref_slice %arg8[%dma_start3A_468] : memref<10x!tpu.dma_semaphore, #tpu.memory_space<semaphore_mem>> -> memref<1x!tpu.dma_semaphore, #tpu.memory_space<semaphore_mem>>
      %dma_start3A_477 = tpu.memref_squeeze %dma_start3A_476 : memref<1x!tpu.dma_semaphore, #tpu.memory_space<semaphore_mem>> -> memref<!tpu.dma_semaphore, #tpu.memory_space<semaphore_mem>>
      %dma_start3A_478 = arith.constant 0 : i32
      %dma_start3A_479 = tpu.memref_slice %arg4[%select_n3A_426, %add3A_466, %dma_start3A_478] : memref<50x4096x128xf32, #tpu.memory_space<hbm>> -> memref<1x64x128xf32, #tpu.memory_space<hbm>>
      %dma_start3A_480 = tpu.memref_squeeze %dma_start3A_479 : memref<1x64x128xf32, #tpu.memory_space<hbm>> -> memref<64x128xf32, #tpu.memory_space<hbm>>
      %dma_start3A_481 = arith.constant 0 : i32
      %dma_start3A_482 = arith.constant 0 : i32
      %dma_start3A_483 = tpu.memref_slice %arg6[%dma_start3A_467, %dma_start3A_481, %dma_start3A_482] : memref<10x64x128xf32, #tpu.memory_space<vmem>> -> memref<1x64x128xf32, #tpu.memory_space<vmem>>
      %dma_start3A_484 = tpu.memref_squeeze %dma_start3A_483 : memref<1x64x128xf32, #tpu.memory_space<vmem>> -> memref<64x128xf32, #tpu.memory_space<vmem>>
      tpu.enqueue_dma source(%dma_start3A_484 : memref<64x128xf32, #tpu.memory_space<vmem>>) target(%dma_start3A_480 : memref<64x128xf32, #tpu.memory_space<hbm>>) target_semaphore(%dma_start3A_477 : memref<!tpu.dma_semaphore, #tpu.memory_space<semaphore_mem>>)
      %add3A_485 = arith.constant 4 : i32
      %add3A_486 = arith.addi %mul3A_159, %add3A_485 : i32
      %jit3A_487 = arith.constant 2 : i32
      %div3A_488 = arith.divsi %add3A_486, %jit3A_487 : i32
      %sign3A_489 = arith.constant 0 : i32
      %sign3A_490 = arith.cmpi sgt, %add3A_486, %sign3A_489 : i32
      %sign3A_491 = arith.extui %sign3A_490 : i1 to i32
      %sign3A_492 = arith.constant 0 : i32
      %sign3A_493 = arith.cmpi slt, %add3A_486, %sign3A_492 : i32
      %sign3A_494 = arith.extui %sign3A_493 : i1 to i32
      %sign3A_495 = arith.subi %sign3A_491, %sign3A_494 : i32
      %sign3A_496 = arith.constant 0 : i32
      %sign3A_497 = arith.cmpi sgt, %jit3A_487, %sign3A_496 : i32
      %sign3A_498 = arith.extui %sign3A_497 : i1 to i32
      %sign3A_499 = arith.constant 0 : i32
      %sign3A_500 = arith.cmpi slt, %jit3A_487, %sign3A_499 : i32
      %sign3A_501 = arith.extui %sign3A_500 : i1 to i32
      %sign3A_502 = arith.subi %sign3A_498, %sign3A_501 : i32
      %ne3A_503 = arith.cmpi ne, %sign3A_495, %sign3A_502 : i32
      %rem3A_504 = arith.remsi %add3A_486, %jit3A_487 : i32
      %ne3A_505 = arith.constant 0 : i32
      %ne3A_506 = arith.cmpi ne, %rem3A_504, %ne3A_505 : i32
      %and3A_507 = arith.andi %ne3A_503, %ne3A_506 : i1
      %sub3A_508 = arith.constant 1 : i32
      %sub3A_509 = arith.subi %div3A_488, %sub3A_508 : i32
      %select_n3A_510 = arith.select %and3A_507, %sub3A_509, %div3A_488 : i32
      %jit3A_511 = arith.constant 2 : i32
      %eq3A_512 = arith.constant 0 : i32
      %eq3A_513 = arith.cmpi eq, %jit3A_511, %eq3A_512 : i32
      %jit3A_514 = arith.constant 1 : i32
      %select_n3A_515 = arith.select %eq3A_513, %jit3A_514, %jit3A_511 : i32
      %rem3A_516 = arith.remsi %add3A_486, %select_n3A_515 : i32
      %ne3A_517 = arith.constant 0 : i32
      %ne3A_518 = arith.cmpi ne, %rem3A_516, %ne3A_517 : i32
      %lt3A_519 = arith.constant 0 : i32
      %lt3A_520 = arith.cmpi slt, %rem3A_516, %lt3A_519 : i32
      %lt3A_521 = arith.constant 0 : i32
      %lt3A_522 = arith.cmpi slt, %select_n3A_515, %lt3A_521 : i32
      %ne3A_523 = arith.xori %lt3A_520, %lt3A_522 : i1
      %and3A_524 = arith.andi %ne3A_523, %ne3A_518 : i1
      %add3A_525 = arith.addi %rem3A_516, %select_n3A_515 : i32
      %select_n3A_526 = arith.select %and3A_524, %add3A_525, %rem3A_516 : i32
      %dma_wait3A_527 = arith.constant 0 : i32
      %dma_wait3A_528 = arith.constant 4 : i32
      %dma_wait3A_529 = arith.constant 4 : i32
      %dma_wait3A_530 = arith.constant 0 : i32
      %dma_wait3A_531 = arith.constant 0 : i32
      %dma_wait3A_532 = tpu.memref_slice %arg6[%dma_wait3A_528, %dma_wait3A_530, %dma_wait3A_531] : memref<10x64x128xf32, #tpu.memory_space<vmem>> -> memref<1x64x128xf32, #tpu.memory_space<vmem>>
      %dma_wait3A_533 = tpu.memref_squeeze %dma_wait3A_532 : memref<1x64x128xf32, #tpu.memory_space<vmem>> -> memref<64x128xf32, #tpu.memory_space<vmem>>
      %dma_wait3A_534 = arith.constant 0 : i32
      %dma_wait3A_535 = arith.constant 0 : i32
      %dma_wait3A_536 = tpu.memref_slice %arg4[%dma_wait3A_527, %dma_wait3A_534, %dma_wait3A_535] : memref<50x4096x128xf32, #tpu.memory_space<hbm>> -> memref<1x64x128xf32, #tpu.memory_space<hbm>>
      %dma_wait3A_537 = tpu.memref_squeeze %dma_wait3A_536 : memref<1x64x128xf32, #tpu.memory_space<hbm>> -> memref<64x128xf32, #tpu.memory_space<hbm>>
      %dma_wait3A_538 = tpu.memref_slice %arg7[%dma_wait3A_529] : memref<10x!tpu.dma_semaphore, #tpu.memory_space<semaphore_mem>> -> memref<1x!tpu.dma_semaphore, #tpu.memory_space<semaphore_mem>>
      %dma_wait3A_539 = tpu.memref_squeeze %dma_wait3A_538 : memref<1x!tpu.dma_semaphore, #tpu.memory_space<semaphore_mem>> -> memref<!tpu.dma_semaphore, #tpu.memory_space<semaphore_mem>>
      %dma_wait3A_540 = arith.constant 0 : i32
      %dma_wait3A_541 = arith.constant 0 : i32
      %dma_wait3A_542 = tpu.memref_slice %arg6[%dma_wait3A_528, %dma_wait3A_540, %dma_wait3A_541] : memref<10x64x128xf32, #tpu.memory_space<vmem>> -> memref<1x64x128xf32, #tpu.memory_space<vmem>>
      %dma_wait3A_543 = tpu.memref_squeeze %dma_wait3A_542 : memref<1x64x128xf32, #tpu.memory_space<vmem>> -> memref<64x128xf32, #tpu.memory_space<vmem>>
      %dma_wait3A_544 = arith.constant 0 : i32
      %dma_wait3A_545 = arith.constant 0 : i32
      %dma_wait3A_546 = tpu.memref_slice %arg4[%dma_wait3A_527, %dma_wait3A_544, %dma_wait3A_545] : memref<50x4096x128xf32, #tpu.memory_space<hbm>> -> memref<1x64x128xf32, #tpu.memory_space<hbm>>
      %dma_wait3A_547 = tpu.memref_squeeze %dma_wait3A_546 : memref<1x64x128xf32, #tpu.memory_space<hbm>> -> memref<64x128xf32, #tpu.memory_space<hbm>>
      tpu.wait_dma2 semaphore(%dma_wait3A_539 : memref<!tpu.dma_semaphore, #tpu.memory_space<semaphore_mem>>) src(%dma_wait3A_547 : memref<64x128xf32, #tpu.memory_space<hbm>>) dst(%dma_wait3A_543 : memref<64x128xf32, #tpu.memory_space<vmem>>)
      %mul3A_548 = arith.constant 64 : i32
      %mul3A_549 = arith.muli %select_n3A_526, %mul3A_548 : i32
      %add3A_550 = arith.addi %mul3A_2, %mul3A_549 : i32
      %dma_start3A_551 = arith.constant 4 : i32
      %dma_start3A_552 = arith.constant 4 : i32
      %dma_start3A_553 = arith.constant 0 : i32
      %dma_start3A_554 = arith.constant 0 : i32
      %dma_start3A_555 = tpu.memref_slice %arg6[%dma_start3A_551, %dma_start3A_553, %dma_start3A_554] : memref<10x64x128xf32, #tpu.memory_space<vmem>> -> memref<1x64x128xf32, #tpu.memory_space<vmem>>
      %dma_start3A_556 = tpu.memref_squeeze %dma_start3A_555 : memref<1x64x128xf32, #tpu.memory_space<vmem>> -> memref<64x128xf32, #tpu.memory_space<vmem>>
      %dma_start3A_557 = arith.constant 0 : i32
      %dma_start3A_558 = tpu.memref_slice %arg4[%select_n3A_510, %add3A_550, %dma_start3A_557] : memref<50x4096x128xf32, #tpu.memory_space<hbm>> -> memref<1x64x128xf32, #tpu.memory_space<hbm>>
      %dma_start3A_559 = tpu.memref_squeeze %dma_start3A_558 : memref<1x64x128xf32, #tpu.memory_space<hbm>> -> memref<64x128xf32, #tpu.memory_space<hbm>>
      %dma_start3A_560 = tpu.memref_slice %arg8[%dma_start3A_552] : memref<10x!tpu.dma_semaphore, #tpu.memory_space<semaphore_mem>> -> memref<1x!tpu.dma_semaphore, #tpu.memory_space<semaphore_mem>>
      %dma_start3A_561 = tpu.memref_squeeze %dma_start3A_560 : memref<1x!tpu.dma_semaphore, #tpu.memory_space<semaphore_mem>> -> memref<!tpu.dma_semaphore, #tpu.memory_space<semaphore_mem>>
      %dma_start3A_562 = arith.constant 0 : i32
      %dma_start3A_563 = tpu.memref_slice %arg4[%select_n3A_510, %add3A_550, %dma_start3A_562] : memref<50x4096x128xf32, #tpu.memory_space<hbm>> -> memref<1x64x128xf32, #tpu.memory_space<hbm>>
      %dma_start3A_564 = tpu.memref_squeeze %dma_start3A_563 : memref<1x64x128xf32, #tpu.memory_space<hbm>> -> memref<64x128xf32, #tpu.memory_space<hbm>>
      %dma_start3A_565 = arith.constant 0 : i32
      %dma_start3A_566 = arith.constant 0 : i32
      %dma_start3A_567 = tpu.memref_slice %arg6[%dma_start3A_551, %dma_start3A_565, %dma_start3A_566] : memref<10x64x128xf32, #tpu.memory_space<vmem>> -> memref<1x64x128xf32, #tpu.memory_space<vmem>>
      %dma_start3A_568 = tpu.memref_squeeze %dma_start3A_567 : memref<1x64x128xf32, #tpu.memory_space<vmem>> -> memref<64x128xf32, #tpu.memory_space<vmem>>
      tpu.enqueue_dma source(%dma_start3A_568 : memref<64x128xf32, #tpu.memory_space<vmem>>) target(%dma_start3A_564 : memref<64x128xf32, #tpu.memory_space<hbm>>) target_semaphore(%dma_start3A_561 : memref<!tpu.dma_semaphore, #tpu.memory_space<semaphore_mem>>)
      %add3A_569 = arith.constant 5 : i32
      %add3A_570 = arith.addi %mul3A_159, %add3A_569 : i32
      %jit3A_571 = arith.constant 2 : i32
      %div3A_572 = arith.divsi %add3A_570, %jit3A_571 : i32
      %sign3A_573 = arith.constant 0 : i32
      %sign3A_574 = arith.cmpi sgt, %add3A_570, %sign3A_573 : i32
      %sign3A_575 = arith.extui %sign3A_574 : i1 to i32
      %sign3A_576 = arith.constant 0 : i32
      %sign3A_577 = arith.cmpi slt, %add3A_570, %sign3A_576 : i32
      %sign3A_578 = arith.extui %sign3A_577 : i1 to i32
      %sign3A_579 = arith.subi %sign3A_575, %sign3A_578 : i32
      %sign3A_580 = arith.constant 0 : i32
      %sign3A_581 = arith.cmpi sgt, %jit3A_571, %sign3A_580 : i32
      %sign3A_582 = arith.extui %sign3A_581 : i1 to i32
      %sign3A_583 = arith.constant 0 : i32
      %sign3A_584 = arith.cmpi slt, %jit3A_571, %sign3A_583 : i32
      %sign3A_585 = arith.extui %sign3A_584 : i1 to i32
      %sign3A_586 = arith.subi %sign3A_582, %sign3A_585 : i32
      %ne3A_587 = arith.cmpi ne, %sign3A_579, %sign3A_586 : i32
      %rem3A_588 = arith.remsi %add3A_570, %jit3A_571 : i32
      %ne3A_589 = arith.constant 0 : i32
      %ne3A_590 = arith.cmpi ne, %rem3A_588, %ne3A_589 : i32
      %and3A_591 = arith.andi %ne3A_587, %ne3A_590 : i1
      %sub3A_592 = arith.constant 1 : i32
      %sub3A_593 = arith.subi %div3A_572, %sub3A_592 : i32
      %select_n3A_594 = arith.select %and3A_591, %sub3A_593, %div3A_572 : i32
      %jit3A_595 = arith.constant 2 : i32
      %eq3A_596 = arith.constant 0 : i32
      %eq3A_597 = arith.cmpi eq, %jit3A_595, %eq3A_596 : i32
      %jit3A_598 = arith.constant 1 : i32
      %select_n3A_599 = arith.select %eq3A_597, %jit3A_598, %jit3A_595 : i32
      %rem3A_600 = arith.remsi %add3A_570, %select_n3A_599 : i32
      %ne3A_601 = arith.constant 0 : i32
      %ne3A_602 = arith.cmpi ne, %rem3A_600, %ne3A_601 : i32
      %lt3A_603 = arith.constant 0 : i32
      %lt3A_604 = arith.cmpi slt, %rem3A_600, %lt3A_603 : i32
      %lt3A_605 = arith.constant 0 : i32
      %lt3A_606 = arith.cmpi slt, %select_n3A_599, %lt3A_605 : i32
      %ne3A_607 = arith.xori %lt3A_604, %lt3A_606 : i1
      %and3A_608 = arith.andi %ne3A_607, %ne3A_602 : i1
      %add3A_609 = arith.addi %rem3A_600, %select_n3A_599 : i32
      %select_n3A_610 = arith.select %and3A_608, %add3A_609, %rem3A_600 : i32
      %dma_wait3A_611 = arith.constant 0 : i32
      %dma_wait3A_612 = arith.constant 5 : i32
      %dma_wait3A_613 = arith.constant 5 : i32
      %dma_wait3A_614 = arith.constant 0 : i32
      %dma_wait3A_615 = arith.constant 0 : i32
      %dma_wait3A_616 = tpu.memref_slice %arg6[%dma_wait3A_612, %dma_wait3A_614, %dma_wait3A_615] : memref<10x64x128xf32, #tpu.memory_space<vmem>> -> memref<1x64x128xf32, #tpu.memory_space<vmem>>
      %dma_wait3A_617 = tpu.memref_squeeze %dma_wait3A_616 : memref<1x64x128xf32, #tpu.memory_space<vmem>> -> memref<64x128xf32, #tpu.memory_space<vmem>>
      %dma_wait3A_618 = arith.constant 0 : i32
      %dma_wait3A_619 = arith.constant 0 : i32
      %dma_wait3A_620 = tpu.memref_slice %arg4[%dma_wait3A_611, %dma_wait3A_618, %dma_wait3A_619] : memref<50x4096x128xf32, #tpu.memory_space<hbm>> -> memref<1x64x128xf32, #tpu.memory_space<hbm>>
      %dma_wait3A_621 = tpu.memref_squeeze %dma_wait3A_620 : memref<1x64x128xf32, #tpu.memory_space<hbm>> -> memref<64x128xf32, #tpu.memory_space<hbm>>
      %dma_wait3A_622 = tpu.memref_slice %arg7[%dma_wait3A_613] : memref<10x!tpu.dma_semaphore, #tpu.memory_space<semaphore_mem>> -> memref<1x!tpu.dma_semaphore, #tpu.memory_space<semaphore_mem>>
      %dma_wait3A_623 = tpu.memref_squeeze %dma_wait3A_622 : memref<1x!tpu.dma_semaphore, #tpu.memory_space<semaphore_mem>> -> memref<!tpu.dma_semaphore, #tpu.memory_space<semaphore_mem>>
      %dma_wait3A_624 = arith.constant 0 : i32
      %dma_wait3A_625 = arith.constant 0 : i32
      %dma_wait3A_626 = tpu.memref_slice %arg6[%dma_wait3A_612, %dma_wait3A_624, %dma_wait3A_625] : memref<10x64x128xf32, #tpu.memory_space<vmem>> -> memref<1x64x128xf32, #tpu.memory_space<vmem>>
      %dma_wait3A_627 = tpu.memref_squeeze %dma_wait3A_626 : memref<1x64x128xf32, #tpu.memory_space<vmem>> -> memref<64x128xf32, #tpu.memory_space<vmem>>
      %dma_wait3A_628 = arith.constant 0 : i32
      %dma_wait3A_629 = arith.constant 0 : i32
      %dma_wait3A_630 = tpu.memref_slice %arg4[%dma_wait3A_611, %dma_wait3A_628, %dma_wait3A_629] : memref<50x4096x128xf32, #tpu.memory_space<hbm>> -> memref<1x64x128xf32, #tpu.memory_space<hbm>>
      %dma_wait3A_631 = tpu.memref_squeeze %dma_wait3A_630 : memref<1x64x128xf32, #tpu.memory_space<hbm>> -> memref<64x128xf32, #tpu.memory_space<hbm>>
      tpu.wait_dma2 semaphore(%dma_wait3A_623 : memref<!tpu.dma_semaphore, #tpu.memory_space<semaphore_mem>>) src(%dma_wait3A_631 : memref<64x128xf32, #tpu.memory_space<hbm>>) dst(%dma_wait3A_627 : memref<64x128xf32, #tpu.memory_space<vmem>>)
      %mul3A_632 = arith.constant 64 : i32
      %mul3A_633 = arith.muli %select_n3A_610, %mul3A_632 : i32
      %add3A_634 = arith.addi %mul3A_2, %mul3A_633 : i32
      %dma_start3A_635 = arith.constant 5 : i32
      %dma_start3A_636 = arith.constant 5 : i32
      %dma_start3A_637 = arith.constant 0 : i32
      %dma_start3A_638 = arith.constant 0 : i32
      %dma_start3A_639 = tpu.memref_slice %arg6[%dma_start3A_635, %dma_start3A_637, %dma_start3A_638] : memref<10x64x128xf32, #tpu.memory_space<vmem>> -> memref<1x64x128xf32, #tpu.memory_space<vmem>>
      %dma_start3A_640 = tpu.memref_squeeze %dma_start3A_639 : memref<1x64x128xf32, #tpu.memory_space<vmem>> -> memref<64x128xf32, #tpu.memory_space<vmem>>
      %dma_start3A_641 = arith.constant 0 : i32
      %dma_start3A_642 = tpu.memref_slice %arg4[%select_n3A_594, %add3A_634, %dma_start3A_641] : memref<50x4096x128xf32, #tpu.memory_space<hbm>> -> memref<1x64x128xf32, #tpu.memory_space<hbm>>
      %dma_start3A_643 = tpu.memref_squeeze %dma_start3A_642 : memref<1x64x128xf32, #tpu.memory_space<hbm>> -> memref<64x128xf32, #tpu.memory_space<hbm>>
      %dma_start3A_644 = tpu.memref_slice %arg8[%dma_start3A_636] : memref<10x!tpu.dma_semaphore, #tpu.memory_space<semaphore_mem>> -> memref<1x!tpu.dma_semaphore, #tpu.memory_space<semaphore_mem>>
      %dma_start3A_645 = tpu.memref_squeeze %dma_start3A_644 : memref<1x!tpu.dma_semaphore, #tpu.memory_space<semaphore_mem>> -> memref<!tpu.dma_semaphore, #tpu.memory_space<semaphore_mem>>
      %dma_start3A_646 = arith.constant 0 : i32
      %dma_start3A_647 = tpu.memref_slice %arg4[%select_n3A_594, %add3A_634, %dma_start3A_646] : memref<50x4096x128xf32, #tpu.memory_space<hbm>> -> memref<1x64x128xf32, #tpu.memory_space<hbm>>
      %dma_start3A_648 = tpu.memref_squeeze %dma_start3A_647 : memref<1x64x128xf32, #tpu.memory_space<hbm>> -> memref<64x128xf32, #tpu.memory_space<hbm>>
      %dma_start3A_649 = arith.constant 0 : i32
      %dma_start3A_650 = arith.constant 0 : i32
      %dma_start3A_651 = tpu.memref_slice %arg6[%dma_start3A_635, %dma_start3A_649, %dma_start3A_650] : memref<10x64x128xf32, #tpu.memory_space<vmem>> -> memref<1x64x128xf32, #tpu.memory_space<vmem>>
      %dma_start3A_652 = tpu.memref_squeeze %dma_start3A_651 : memref<1x64x128xf32, #tpu.memory_space<vmem>> -> memref<64x128xf32, #tpu.memory_space<vmem>>
      tpu.enqueue_dma source(%dma_start3A_652 : memref<64x128xf32, #tpu.memory_space<vmem>>) target(%dma_start3A_648 : memref<64x128xf32, #tpu.memory_space<hbm>>) target_semaphore(%dma_start3A_645 : memref<!tpu.dma_semaphore, #tpu.memory_space<semaphore_mem>>)
      %add3A_653 = arith.constant 6 : i32
      %add3A_654 = arith.addi %mul3A_159, %add3A_653 : i32
      %jit3A_655 = arith.constant 2 : i32
      %div3A_656 = arith.divsi %add3A_654, %jit3A_655 : i32
      %sign3A_657 = arith.constant 0 : i32
      %sign3A_658 = arith.cmpi sgt, %add3A_654, %sign3A_657 : i32
      %sign3A_659 = arith.extui %sign3A_658 : i1 to i32
      %sign3A_660 = arith.constant 0 : i32
      %sign3A_661 = arith.cmpi slt, %add3A_654, %sign3A_660 : i32
      %sign3A_662 = arith.extui %sign3A_661 : i1 to i32
      %sign3A_663 = arith.subi %sign3A_659, %sign3A_662 : i32
      %sign3A_664 = arith.constant 0 : i32
      %sign3A_665 = arith.cmpi sgt, %jit3A_655, %sign3A_664 : i32
      %sign3A_666 = arith.extui %sign3A_665 : i1 to i32
      %sign3A_667 = arith.constant 0 : i32
      %sign3A_668 = arith.cmpi slt, %jit3A_655, %sign3A_667 : i32
      %sign3A_669 = arith.extui %sign3A_668 : i1 to i32
      %sign3A_670 = arith.subi %sign3A_666, %sign3A_669 : i32
      %ne3A_671 = arith.cmpi ne, %sign3A_663, %sign3A_670 : i32
      %rem3A_672 = arith.remsi %add3A_654, %jit3A_655 : i32
      %ne3A_673 = arith.constant 0 : i32
      %ne3A_674 = arith.cmpi ne, %rem3A_672, %ne3A_673 : i32
      %and3A_675 = arith.andi %ne3A_671, %ne3A_674 : i1
      %sub3A_676 = arith.constant 1 : i32
      %sub3A_677 = arith.subi %div3A_656, %sub3A_676 : i32
      %select_n3A_678 = arith.select %and3A_675, %sub3A_677, %div3A_656 : i32
      %jit3A_679 = arith.constant 2 : i32
      %eq3A_680 = arith.constant 0 : i32
      %eq3A_681 = arith.cmpi eq, %jit3A_679, %eq3A_680 : i32
      %jit3A_682 = arith.constant 1 : i32
      %select_n3A_683 = arith.select %eq3A_681, %jit3A_682, %jit3A_679 : i32
      %rem3A_684 = arith.remsi %add3A_654, %select_n3A_683 : i32
      %ne3A_685 = arith.constant 0 : i32
      %ne3A_686 = arith.cmpi ne, %rem3A_684, %ne3A_685 : i32
      %lt3A_687 = arith.constant 0 : i32
      %lt3A_688 = arith.cmpi slt, %rem3A_684, %lt3A_687 : i32
      %lt3A_689 = arith.constant 0 : i32
      %lt3A_690 = arith.cmpi slt, %select_n3A_683, %lt3A_689 : i32
      %ne3A_691 = arith.xori %lt3A_688, %lt3A_690 : i1
      %and3A_692 = arith.andi %ne3A_691, %ne3A_686 : i1
      %add3A_693 = arith.addi %rem3A_684, %select_n3A_683 : i32
      %select_n3A_694 = arith.select %and3A_692, %add3A_693, %rem3A_684 : i32
      %dma_wait3A_695 = arith.constant 0 : i32
      %dma_wait3A_696 = arith.constant 6 : i32
      %dma_wait3A_697 = arith.constant 6 : i32
      %dma_wait3A_698 = arith.constant 0 : i32
      %dma_wait3A_699 = arith.constant 0 : i32
      %dma_wait3A_700 = tpu.memref_slice %arg6[%dma_wait3A_696, %dma_wait3A_698, %dma_wait3A_699] : memref<10x64x128xf32, #tpu.memory_space<vmem>> -> memref<1x64x128xf32, #tpu.memory_space<vmem>>
      %dma_wait3A_701 = tpu.memref_squeeze %dma_wait3A_700 : memref<1x64x128xf32, #tpu.memory_space<vmem>> -> memref<64x128xf32, #tpu.memory_space<vmem>>
      %dma_wait3A_702 = arith.constant 0 : i32
      %dma_wait3A_703 = arith.constant 0 : i32
      %dma_wait3A_704 = tpu.memref_slice %arg4[%dma_wait3A_695, %dma_wait3A_702, %dma_wait3A_703] : memref<50x4096x128xf32, #tpu.memory_space<hbm>> -> memref<1x64x128xf32, #tpu.memory_space<hbm>>
      %dma_wait3A_705 = tpu.memref_squeeze %dma_wait3A_704 : memref<1x64x128xf32, #tpu.memory_space<hbm>> -> memref<64x128xf32, #tpu.memory_space<hbm>>
      %dma_wait3A_706 = tpu.memref_slice %arg7[%dma_wait3A_697] : memref<10x!tpu.dma_semaphore, #tpu.memory_space<semaphore_mem>> -> memref<1x!tpu.dma_semaphore, #tpu.memory_space<semaphore_mem>>
      %dma_wait3A_707 = tpu.memref_squeeze %dma_wait3A_706 : memref<1x!tpu.dma_semaphore, #tpu.memory_space<semaphore_mem>> -> memref<!tpu.dma_semaphore, #tpu.memory_space<semaphore_mem>>
      %dma_wait3A_708 = arith.constant 0 : i32
      %dma_wait3A_709 = arith.constant 0 : i32
      %dma_wait3A_710 = tpu.memref_slice %arg6[%dma_wait3A_696, %dma_wait3A_708, %dma_wait3A_709] : memref<10x64x128xf32, #tpu.memory_space<vmem>> -> memref<1x64x128xf32, #tpu.memory_space<vmem>>
      %dma_wait3A_711 = tpu.memref_squeeze %dma_wait3A_710 : memref<1x64x128xf32, #tpu.memory_space<vmem>> -> memref<64x128xf32, #tpu.memory_space<vmem>>
      %dma_wait3A_712 = arith.constant 0 : i32
      %dma_wait3A_713 = arith.constant 0 : i32
      %dma_wait3A_714 = tpu.memref_slice %arg4[%dma_wait3A_695, %dma_wait3A_712, %dma_wait3A_713] : memref<50x4096x128xf32, #tpu.memory_space<hbm>> -> memref<1x64x128xf32, #tpu.memory_space<hbm>>
      %dma_wait3A_715 = tpu.memref_squeeze %dma_wait3A_714 : memref<1x64x128xf32, #tpu.memory_space<hbm>> -> memref<64x128xf32, #tpu.memory_space<hbm>>
      tpu.wait_dma2 semaphore(%dma_wait3A_707 : memref<!tpu.dma_semaphore, #tpu.memory_space<semaphore_mem>>) src(%dma_wait3A_715 : memref<64x128xf32, #tpu.memory_space<hbm>>) dst(%dma_wait3A_711 : memref<64x128xf32, #tpu.memory_space<vmem>>)
      %mul3A_716 = arith.constant 64 : i32
      %mul3A_717 = arith.muli %select_n3A_694, %mul3A_716 : i32
      %add3A_718 = arith.addi %mul3A_2, %mul3A_717 : i32
      %dma_start3A_719 = arith.constant 6 : i32
      %dma_start3A_720 = arith.constant 6 : i32
      %dma_start3A_721 = arith.constant 0 : i32
      %dma_start3A_722 = arith.constant 0 : i32
      %dma_start3A_723 = tpu.memref_slice %arg6[%dma_start3A_719, %dma_start3A_721, %dma_start3A_722] : memref<10x64x128xf32, #tpu.memory_space<vmem>> -> memref<1x64x128xf32, #tpu.memory_space<vmem>>
      %dma_start3A_724 = tpu.memref_squeeze %dma_start3A_723 : memref<1x64x128xf32, #tpu.memory_space<vmem>> -> memref<64x128xf32, #tpu.memory_space<vmem>>
      %dma_start3A_725 = arith.constant 0 : i32
      %dma_start3A_726 = tpu.memref_slice %arg4[%select_n3A_678, %add3A_718, %dma_start3A_725] : memref<50x4096x128xf32, #tpu.memory_space<hbm>> -> memref<1x64x128xf32, #tpu.memory_space<hbm>>
      %dma_start3A_727 = tpu.memref_squeeze %dma_start3A_726 : memref<1x64x128xf32, #tpu.memory_space<hbm>> -> memref<64x128xf32, #tpu.memory_space<hbm>>
      %dma_start3A_728 = tpu.memref_slice %arg8[%dma_start3A_720] : memref<10x!tpu.dma_semaphore, #tpu.memory_space<semaphore_mem>> -> memref<1x!tpu.dma_semaphore, #tpu.memory_space<semaphore_mem>>
      %dma_start3A_729 = tpu.memref_squeeze %dma_start3A_728 : memref<1x!tpu.dma_semaphore, #tpu.memory_space<semaphore_mem>> -> memref<!tpu.dma_semaphore, #tpu.memory_space<semaphore_mem>>
      %dma_start3A_730 = arith.constant 0 : i32
      %dma_start3A_731 = tpu.memref_slice %arg4[%select_n3A_678, %add3A_718, %dma_start3A_730] : memref<50x4096x128xf32, #tpu.memory_space<hbm>> -> memref<1x64x128xf32, #tpu.memory_space<hbm>>
      %dma_start3A_732 = tpu.memref_squeeze %dma_start3A_731 : memref<1x64x128xf32, #tpu.memory_space<hbm>> -> memref<64x128xf32, #tpu.memory_space<hbm>>
      %dma_start3A_733 = arith.constant 0 : i32
      %dma_start3A_734 = arith.constant 0 : i32
      %dma_start3A_735 = tpu.memref_slice %arg6[%dma_start3A_719, %dma_start3A_733, %dma_start3A_734] : memref<10x64x128xf32, #tpu.memory_space<vmem>> -> memref<1x64x128xf32, #tpu.memory_space<vmem>>
      %dma_start3A_736 = tpu.memref_squeeze %dma_start3A_735 : memref<1x64x128xf32, #tpu.memory_space<vmem>> -> memref<64x128xf32, #tpu.memory_space<vmem>>
      tpu.enqueue_dma source(%dma_start3A_736 : memref<64x128xf32, #tpu.memory_space<vmem>>) target(%dma_start3A_732 : memref<64x128xf32, #tpu.memory_space<hbm>>) target_semaphore(%dma_start3A_729 : memref<!tpu.dma_semaphore, #tpu.memory_space<semaphore_mem>>)
      %add3A_737 = arith.constant 7 : i32
      %add3A_738 = arith.addi %mul3A_159, %add3A_737 : i32
      %jit3A_739 = arith.constant 2 : i32
      %div3A_740 = arith.divsi %add3A_738, %jit3A_739 : i32
      %sign3A_741 = arith.constant 0 : i32
      %sign3A_742 = arith.cmpi sgt, %add3A_738, %sign3A_741 : i32
      %sign3A_743 = arith.extui %sign3A_742 : i1 to i32
      %sign3A_744 = arith.constant 0 : i32
      %sign3A_745 = arith.cmpi slt, %add3A_738, %sign3A_744 : i32
      %sign3A_746 = arith.extui %sign3A_745 : i1 to i32
      %sign3A_747 = arith.subi %sign3A_743, %sign3A_746 : i32
      %sign3A_748 = arith.constant 0 : i32
      %sign3A_749 = arith.cmpi sgt, %jit3A_739, %sign3A_748 : i32
      %sign3A_750 = arith.extui %sign3A_749 : i1 to i32
      %sign3A_751 = arith.constant 0 : i32
      %sign3A_752 = arith.cmpi slt, %jit3A_739, %sign3A_751 : i32
      %sign3A_753 = arith.extui %sign3A_752 : i1 to i32
      %sign3A_754 = arith.subi %sign3A_750, %sign3A_753 : i32
      %ne3A_755 = arith.cmpi ne, %sign3A_747, %sign3A_754 : i32
      %rem3A_756 = arith.remsi %add3A_738, %jit3A_739 : i32
      %ne3A_757 = arith.constant 0 : i32
      %ne3A_758 = arith.cmpi ne, %rem3A_756, %ne3A_757 : i32
      %and3A_759 = arith.andi %ne3A_755, %ne3A_758 : i1
      %sub3A_760 = arith.constant 1 : i32
      %sub3A_761 = arith.subi %div3A_740, %sub3A_760 : i32
      %select_n3A_762 = arith.select %and3A_759, %sub3A_761, %div3A_740 : i32
      %jit3A_763 = arith.constant 2 : i32
      %eq3A_764 = arith.constant 0 : i32
      %eq3A_765 = arith.cmpi eq, %jit3A_763, %eq3A_764 : i32
      %jit3A_766 = arith.constant 1 : i32
      %select_n3A_767 = arith.select %eq3A_765, %jit3A_766, %jit3A_763 : i32
      %rem3A_768 = arith.remsi %add3A_738, %select_n3A_767 : i32
      %ne3A_769 = arith.constant 0 : i32
      %ne3A_770 = arith.cmpi ne, %rem3A_768, %ne3A_769 : i32
      %lt3A_771 = arith.constant 0 : i32
      %lt3A_772 = arith.cmpi slt, %rem3A_768, %lt3A_771 : i32
      %lt3A_773 = arith.constant 0 : i32
      %lt3A_774 = arith.cmpi slt, %select_n3A_767, %lt3A_773 : i32
      %ne3A_775 = arith.xori %lt3A_772, %lt3A_774 : i1
      %and3A_776 = arith.andi %ne3A_775, %ne3A_770 : i1
      %add3A_777 = arith.addi %rem3A_768, %select_n3A_767 : i32
      %select_n3A_778 = arith.select %and3A_776, %add3A_777, %rem3A_768 : i32
      %dma_wait3A_779 = arith.constant 0 : i32
      %dma_wait3A_780 = arith.constant 7 : i32
      %dma_wait3A_781 = arith.constant 7 : i32
      %dma_wait3A_782 = arith.constant 0 : i32
      %dma_wait3A_783 = arith.constant 0 : i32
      %dma_wait3A_784 = tpu.memref_slice %arg6[%dma_wait3A_780, %dma_wait3A_782, %dma_wait3A_783] : memref<10x64x128xf32, #tpu.memory_space<vmem>> -> memref<1x64x128xf32, #tpu.memory_space<vmem>>
      %dma_wait3A_785 = tpu.memref_squeeze %dma_wait3A_784 : memref<1x64x128xf32, #tpu.memory_space<vmem>> -> memref<64x128xf32, #tpu.memory_space<vmem>>
      %dma_wait3A_786 = arith.constant 0 : i32
      %dma_wait3A_787 = arith.constant 0 : i32
      %dma_wait3A_788 = tpu.memref_slice %arg4[%dma_wait3A_779, %dma_wait3A_786, %dma_wait3A_787] : memref<50x4096x128xf32, #tpu.memory_space<hbm>> -> memref<1x64x128xf32, #tpu.memory_space<hbm>>
      %dma_wait3A_789 = tpu.memref_squeeze %dma_wait3A_788 : memref<1x64x128xf32, #tpu.memory_space<hbm>> -> memref<64x128xf32, #tpu.memory_space<hbm>>
      %dma_wait3A_790 = tpu.memref_slice %arg7[%dma_wait3A_781] : memref<10x!tpu.dma_semaphore, #tpu.memory_space<semaphore_mem>> -> memref<1x!tpu.dma_semaphore, #tpu.memory_space<semaphore_mem>>
      %dma_wait3A_791 = tpu.memref_squeeze %dma_wait3A_790 : memref<1x!tpu.dma_semaphore, #tpu.memory_space<semaphore_mem>> -> memref<!tpu.dma_semaphore, #tpu.memory_space<semaphore_mem>>
      %dma_wait3A_792 = arith.constant 0 : i32
      %dma_wait3A_793 = arith.constant 0 : i32
      %dma_wait3A_794 = tpu.memref_slice %arg6[%dma_wait3A_780, %dma_wait3A_792, %dma_wait3A_793] : memref<10x64x128xf32, #tpu.memory_space<vmem>> -> memref<1x64x128xf32, #tpu.memory_space<vmem>>
      %dma_wait3A_795 = tpu.memref_squeeze %dma_wait3A_794 : memref<1x64x128xf32, #tpu.memory_space<vmem>> -> memref<64x128xf32, #tpu.memory_space<vmem>>
      %dma_wait3A_796 = arith.constant 0 : i32
      %dma_wait3A_797 = arith.constant 0 : i32
      %dma_wait3A_798 = tpu.memref_slice %arg4[%dma_wait3A_779, %dma_wait3A_796, %dma_wait3A_797] : memref<50x4096x128xf32, #tpu.memory_space<hbm>> -> memref<1x64x128xf32, #tpu.memory_space<hbm>>
      %dma_wait3A_799 = tpu.memref_squeeze %dma_wait3A_798 : memref<1x64x128xf32, #tpu.memory_space<hbm>> -> memref<64x128xf32, #tpu.memory_space<hbm>>
      tpu.wait_dma2 semaphore(%dma_wait3A_791 : memref<!tpu.dma_semaphore, #tpu.memory_space<semaphore_mem>>) src(%dma_wait3A_799 : memref<64x128xf32, #tpu.memory_space<hbm>>) dst(%dma_wait3A_795 : memref<64x128xf32, #tpu.memory_space<vmem>>)
      %mul3A_800 = arith.constant 64 : i32
      %mul3A_801 = arith.muli %select_n3A_778, %mul3A_800 : i32
      %add3A_802 = arith.addi %mul3A_2, %mul3A_801 : i32
      %dma_start3A_803 = arith.constant 7 : i32
      %dma_start3A_804 = arith.constant 7 : i32
      %dma_start3A_805 = arith.constant 0 : i32
      %dma_start3A_806 = arith.constant 0 : i32
      %dma_start3A_807 = tpu.memref_slice %arg6[%dma_start3A_803, %dma_start3A_805, %dma_start3A_806] : memref<10x64x128xf32, #tpu.memory_space<vmem>> -> memref<1x64x128xf32, #tpu.memory_space<vmem>>
      %dma_start3A_808 = tpu.memref_squeeze %dma_start3A_807 : memref<1x64x128xf32, #tpu.memory_space<vmem>> -> memref<64x128xf32, #tpu.memory_space<vmem>>
      %dma_start3A_809 = arith.constant 0 : i32
      %dma_start3A_810 = tpu.memref_slice %arg4[%select_n3A_762, %add3A_802, %dma_start3A_809] : memref<50x4096x128xf32, #tpu.memory_space<hbm>> -> memref<1x64x128xf32, #tpu.memory_space<hbm>>
      %dma_start3A_811 = tpu.memref_squeeze %dma_start3A_810 : memref<1x64x128xf32, #tpu.memory_space<hbm>> -> memref<64x128xf32, #tpu.memory_space<hbm>>
      %dma_start3A_812 = tpu.memref_slice %arg8[%dma_start3A_804] : memref<10x!tpu.dma_semaphore, #tpu.memory_space<semaphore_mem>> -> memref<1x!tpu.dma_semaphore, #tpu.memory_space<semaphore_mem>>
      %dma_start3A_813 = tpu.memref_squeeze %dma_start3A_812 : memref<1x!tpu.dma_semaphore, #tpu.memory_space<semaphore_mem>> -> memref<!tpu.dma_semaphore, #tpu.memory_space<semaphore_mem>>
      %dma_start3A_814 = arith.constant 0 : i32
      %dma_start3A_815 = tpu.memref_slice %arg4[%select_n3A_762, %add3A_802, %dma_start3A_814] : memref<50x4096x128xf32, #tpu.memory_space<hbm>> -> memref<1x64x128xf32, #tpu.memory_space<hbm>>
      %dma_start3A_816 = tpu.memref_squeeze %dma_start3A_815 : memref<1x64x128xf32, #tpu.memory_space<hbm>> -> memref<64x128xf32, #tpu.memory_space<hbm>>
      %dma_start3A_817 = arith.constant 0 : i32
      %dma_start3A_818 = arith.constant 0 : i32
      %dma_start3A_819 = tpu.memref_slice %arg6[%dma_start3A_803, %dma_start3A_817, %dma_start3A_818] : memref<10x64x128xf32, #tpu.memory_space<vmem>> -> memref<1x64x128xf32, #tpu.memory_space<vmem>>
      %dma_start3A_820 = tpu.memref_squeeze %dma_start3A_819 : memref<1x64x128xf32, #tpu.memory_space<vmem>> -> memref<64x128xf32, #tpu.memory_space<vmem>>
      tpu.enqueue_dma source(%dma_start3A_820 : memref<64x128xf32, #tpu.memory_space<vmem>>) target(%dma_start3A_816 : memref<64x128xf32, #tpu.memory_space<hbm>>) target_semaphore(%dma_start3A_813 : memref<!tpu.dma_semaphore, #tpu.memory_space<semaphore_mem>>)
      %add3A_821 = arith.constant 8 : i32
      %add3A_822 = arith.addi %mul3A_159, %add3A_821 : i32
      %jit3A_823 = arith.constant 2 : i32
      %div3A_824 = arith.divsi %add3A_822, %jit3A_823 : i32
      %sign3A_825 = arith.constant 0 : i32
      %sign3A_826 = arith.cmpi sgt, %add3A_822, %sign3A_825 : i32
      %sign3A_827 = arith.extui %sign3A_826 : i1 to i32
      %sign3A_828 = arith.constant 0 : i32
      %sign3A_829 = arith.cmpi slt, %add3A_822, %sign3A_828 : i32
      %sign3A_830 = arith.extui %sign3A_829 : i1 to i32
      %sign3A_831 = arith.subi %sign3A_827, %sign3A_830 : i32
      %sign3A_832 = arith.constant 0 : i32
      %sign3A_833 = arith.cmpi sgt, %jit3A_823, %sign3A_832 : i32
      %sign3A_834 = arith.extui %sign3A_833 : i1 to i32
      %sign3A_835 = arith.constant 0 : i32
      %sign3A_836 = arith.cmpi slt, %jit3A_823, %sign3A_835 : i32
      %sign3A_837 = arith.extui %sign3A_836 : i1 to i32
      %sign3A_838 = arith.subi %sign3A_834, %sign3A_837 : i32
      %ne3A_839 = arith.cmpi ne, %sign3A_831, %sign3A_838 : i32
      %rem3A_840 = arith.remsi %add3A_822, %jit3A_823 : i32
      %ne3A_841 = arith.constant 0 : i32
      %ne3A_842 = arith.cmpi ne, %rem3A_840, %ne3A_841 : i32
      %and3A_843 = arith.andi %ne3A_839, %ne3A_842 : i1
      %sub3A_844 = arith.constant 1 : i32
      %sub3A_845 = arith.subi %div3A_824, %sub3A_844 : i32
      %select_n3A_846 = arith.select %and3A_843, %sub3A_845, %div3A_824 : i32
      %jit3A_847 = arith.constant 2 : i32
      %eq3A_848 = arith.constant 0 : i32
      %eq3A_849 = arith.cmpi eq, %jit3A_847, %eq3A_848 : i32
      %jit3A_850 = arith.constant 1 : i32
      %select_n3A_851 = arith.select %eq3A_849, %jit3A_850, %jit3A_847 : i32
      %rem3A_852 = arith.remsi %add3A_822, %select_n3A_851 : i32
      %ne3A_853 = arith.constant 0 : i32
      %ne3A_854 = arith.cmpi ne, %rem3A_852, %ne3A_853 : i32
      %lt3A_855 = arith.constant 0 : i32
      %lt3A_856 = arith.cmpi slt, %rem3A_852, %lt3A_855 : i32
      %lt3A_857 = arith.constant 0 : i32
      %lt3A_858 = arith.cmpi slt, %select_n3A_851, %lt3A_857 : i32
      %ne3A_859 = arith.xori %lt3A_856, %lt3A_858 : i1
      %and3A_860 = arith.andi %ne3A_859, %ne3A_854 : i1
      %add3A_861 = arith.addi %rem3A_852, %select_n3A_851 : i32
      %select_n3A_862 = arith.select %and3A_860, %add3A_861, %rem3A_852 : i32
      %dma_wait3A_863 = arith.constant 0 : i32
      %dma_wait3A_864 = arith.constant 8 : i32
      %dma_wait3A_865 = arith.constant 8 : i32
      %dma_wait3A_866 = arith.constant 0 : i32
      %dma_wait3A_867 = arith.constant 0 : i32
      %dma_wait3A_868 = tpu.memref_slice %arg6[%dma_wait3A_864, %dma_wait3A_866, %dma_wait3A_867] : memref<10x64x128xf32, #tpu.memory_space<vmem>> -> memref<1x64x128xf32, #tpu.memory_space<vmem>>
      %dma_wait3A_869 = tpu.memref_squeeze %dma_wait3A_868 : memref<1x64x128xf32, #tpu.memory_space<vmem>> -> memref<64x128xf32, #tpu.memory_space<vmem>>
      %dma_wait3A_870 = arith.constant 0 : i32
      %dma_wait3A_871 = arith.constant 0 : i32
      %dma_wait3A_872 = tpu.memref_slice %arg4[%dma_wait3A_863, %dma_wait3A_870, %dma_wait3A_871] : memref<50x4096x128xf32, #tpu.memory_space<hbm>> -> memref<1x64x128xf32, #tpu.memory_space<hbm>>
      %dma_wait3A_873 = tpu.memref_squeeze %dma_wait3A_872 : memref<1x64x128xf32, #tpu.memory_space<hbm>> -> memref<64x128xf32, #tpu.memory_space<hbm>>
      %dma_wait3A_874 = tpu.memref_slice %arg7[%dma_wait3A_865] : memref<10x!tpu.dma_semaphore, #tpu.memory_space<semaphore_mem>> -> memref<1x!tpu.dma_semaphore, #tpu.memory_space<semaphore_mem>>
      %dma_wait3A_875 = tpu.memref_squeeze %dma_wait3A_874 : memref<1x!tpu.dma_semaphore, #tpu.memory_space<semaphore_mem>> -> memref<!tpu.dma_semaphore, #tpu.memory_space<semaphore_mem>>
      %dma_wait3A_876 = arith.constant 0 : i32
      %dma_wait3A_877 = arith.constant 0 : i32
      %dma_wait3A_878 = tpu.memref_slice %arg6[%dma_wait3A_864, %dma_wait3A_876, %dma_wait3A_877] : memref<10x64x128xf32, #tpu.memory_space<vmem>> -> memref<1x64x128xf32, #tpu.memory_space<vmem>>
      %dma_wait3A_879 = tpu.memref_squeeze %dma_wait3A_878 : memref<1x64x128xf32, #tpu.memory_space<vmem>> -> memref<64x128xf32, #tpu.memory_space<vmem>>
      %dma_wait3A_880 = arith.constant 0 : i32
      %dma_wait3A_881 = arith.constant 0 : i32
      %dma_wait3A_882 = tpu.memref_slice %arg4[%dma_wait3A_863, %dma_wait3A_880, %dma_wait3A_881] : memref<50x4096x128xf32, #tpu.memory_space<hbm>> -> memref<1x64x128xf32, #tpu.memory_space<hbm>>
      %dma_wait3A_883 = tpu.memref_squeeze %dma_wait3A_882 : memref<1x64x128xf32, #tpu.memory_space<hbm>> -> memref<64x128xf32, #tpu.memory_space<hbm>>
      tpu.wait_dma2 semaphore(%dma_wait3A_875 : memref<!tpu.dma_semaphore, #tpu.memory_space<semaphore_mem>>) src(%dma_wait3A_883 : memref<64x128xf32, #tpu.memory_space<hbm>>) dst(%dma_wait3A_879 : memref<64x128xf32, #tpu.memory_space<vmem>>)
      %mul3A_884 = arith.constant 64 : i32
      %mul3A_885 = arith.muli %select_n3A_862, %mul3A_884 : i32
      %add3A_886 = arith.addi %mul3A_2, %mul3A_885 : i32
      %dma_start3A_887 = arith.constant 8 : i32
      %dma_start3A_888 = arith.constant 8 : i32
      %dma_start3A_889 = arith.constant 0 : i32
      %dma_start3A_890 = arith.constant 0 : i32
      %dma_start3A_891 = tpu.memref_slice %arg6[%dma_start3A_887, %dma_start3A_889, %dma_start3A_890] : memref<10x64x128xf32, #tpu.memory_space<vmem>> -> memref<1x64x128xf32, #tpu.memory_space<vmem>>
      %dma_start3A_892 = tpu.memref_squeeze %dma_start3A_891 : memref<1x64x128xf32, #tpu.memory_space<vmem>> -> memref<64x128xf32, #tpu.memory_space<vmem>>
      %dma_start3A_893 = arith.constant 0 : i32
      %dma_start3A_894 = tpu.memref_slice %arg4[%select_n3A_846, %add3A_886, %dma_start3A_893] : memref<50x4096x128xf32, #tpu.memory_space<hbm>> -> memref<1x64x128xf32, #tpu.memory_space<hbm>>
      %dma_start3A_895 = tpu.memref_squeeze %dma_start3A_894 : memref<1x64x128xf32, #tpu.memory_space<hbm>> -> memref<64x128xf32, #tpu.memory_space<hbm>>
      %dma_start3A_896 = tpu.memref_slice %arg8[%dma_start3A_888] : memref<10x!tpu.dma_semaphore, #tpu.memory_space<semaphore_mem>> -> memref<1x!tpu.dma_semaphore, #tpu.memory_space<semaphore_mem>>
      %dma_start3A_897 = tpu.memref_squeeze %dma_start3A_896 : memref<1x!tpu.dma_semaphore, #tpu.memory_space<semaphore_mem>> -> memref<!tpu.dma_semaphore, #tpu.memory_space<semaphore_mem>>
      %dma_start3A_898 = arith.constant 0 : i32
      %dma_start3A_899 = tpu.memref_slice %arg4[%select_n3A_846, %add3A_886, %dma_start3A_898] : memref<50x4096x128xf32, #tpu.memory_space<hbm>> -> memref<1x64x128xf32, #tpu.memory_space<hbm>>
      %dma_start3A_900 = tpu.memref_squeeze %dma_start3A_899 : memref<1x64x128xf32, #tpu.memory_space<hbm>> -> memref<64x128xf32, #tpu.memory_space<hbm>>
      %dma_start3A_901 = arith.constant 0 : i32
      %dma_start3A_902 = arith.constant 0 : i32
      %dma_start3A_903 = tpu.memref_slice %arg6[%dma_start3A_887, %dma_start3A_901, %dma_start3A_902] : memref<10x64x128xf32, #tpu.memory_space<vmem>> -> memref<1x64x128xf32, #tpu.memory_space<vmem>>
      %dma_start3A_904 = tpu.memref_squeeze %dma_start3A_903 : memref<1x64x128xf32, #tpu.memory_space<vmem>> -> memref<64x128xf32, #tpu.memory_space<vmem>>
      tpu.enqueue_dma source(%dma_start3A_904 : memref<64x128xf32, #tpu.memory_space<vmem>>) target(%dma_start3A_900 : memref<64x128xf32, #tpu.memory_space<hbm>>) target_semaphore(%dma_start3A_897 : memref<!tpu.dma_semaphore, #tpu.memory_space<semaphore_mem>>)
      %add3A_905 = arith.constant 9 : i32
      %add3A_906 = arith.addi %mul3A_159, %add3A_905 : i32
      %jit3A_907 = arith.constant 2 : i32
      %div3A_908 = arith.divsi %add3A_906, %jit3A_907 : i32
      %sign3A_909 = arith.constant 0 : i32
      %sign3A_910 = arith.cmpi sgt, %add3A_906, %sign3A_909 : i32
      %sign3A_911 = arith.extui %sign3A_910 : i1 to i32
      %sign3A_912 = arith.constant 0 : i32
      %sign3A_913 = arith.cmpi slt, %add3A_906, %sign3A_912 : i32
      %sign3A_914 = arith.extui %sign3A_913 : i1 to i32
      %sign3A_915 = arith.subi %sign3A_911, %sign3A_914 : i32
      %sign3A_916 = arith.constant 0 : i32
      %sign3A_917 = arith.cmpi sgt, %jit3A_907, %sign3A_916 : i32
      %sign3A_918 = arith.extui %sign3A_917 : i1 to i32
      %sign3A_919 = arith.constant 0 : i32
      %sign3A_920 = arith.cmpi slt, %jit3A_907, %sign3A_919 : i32
      %sign3A_921 = arith.extui %sign3A_920 : i1 to i32
      %sign3A_922 = arith.subi %sign3A_918, %sign3A_921 : i32
      %ne3A_923 = arith.cmpi ne, %sign3A_915, %sign3A_922 : i32
      %rem3A_924 = arith.remsi %add3A_906, %jit3A_907 : i32
      %ne3A_925 = arith.constant 0 : i32
      %ne3A_926 = arith.cmpi ne, %rem3A_924, %ne3A_925 : i32
      %and3A_927 = arith.andi %ne3A_923, %ne3A_926 : i1
      %sub3A_928 = arith.constant 1 : i32
      %sub3A_929 = arith.subi %div3A_908, %sub3A_928 : i32
      %select_n3A_930 = arith.select %and3A_927, %sub3A_929, %div3A_908 : i32
      %jit3A_931 = arith.constant 2 : i32
      %eq3A_932 = arith.constant 0 : i32
      %eq3A_933 = arith.cmpi eq, %jit3A_931, %eq3A_932 : i32
      %jit3A_934 = arith.constant 1 : i32
      %select_n3A_935 = arith.select %eq3A_933, %jit3A_934, %jit3A_931 : i32
      %rem3A_936 = arith.remsi %add3A_906, %select_n3A_935 : i32
      %ne3A_937 = arith.constant 0 : i32
      %ne3A_938 = arith.cmpi ne, %rem3A_936, %ne3A_937 : i32
      %lt3A_939 = arith.constant 0 : i32
      %lt3A_940 = arith.cmpi slt, %rem3A_936, %lt3A_939 : i32
      %lt3A_941 = arith.constant 0 : i32
      %lt3A_942 = arith.cmpi slt, %select_n3A_935, %lt3A_941 : i32
      %ne3A_943 = arith.xori %lt3A_940, %lt3A_942 : i1
      %and3A_944 = arith.andi %ne3A_943, %ne3A_938 : i1
      %add3A_945 = arith.addi %rem3A_936, %select_n3A_935 : i32
      %select_n3A_946 = arith.select %and3A_944, %add3A_945, %rem3A_936 : i32
      %dma_wait3A_947 = arith.constant 0 : i32
      %dma_wait3A_948 = arith.constant 9 : i32
      %dma_wait3A_949 = arith.constant 9 : i32
      %dma_wait3A_950 = arith.constant 0 : i32
      %dma_wait3A_951 = arith.constant 0 : i32
      %dma_wait3A_952 = tpu.memref_slice %arg6[%dma_wait3A_948, %dma_wait3A_950, %dma_wait3A_951] : memref<10x64x128xf32, #tpu.memory_space<vmem>> -> memref<1x64x128xf32, #tpu.memory_space<vmem>>
      %dma_wait3A_953 = tpu.memref_squeeze %dma_wait3A_952 : memref<1x64x128xf32, #tpu.memory_space<vmem>> -> memref<64x128xf32, #tpu.memory_space<vmem>>
      %dma_wait3A_954 = arith.constant 0 : i32
      %dma_wait3A_955 = arith.constant 0 : i32
      %dma_wait3A_956 = tpu.memref_slice %arg4[%dma_wait3A_947, %dma_wait3A_954, %dma_wait3A_955] : memref<50x4096x128xf32, #tpu.memory_space<hbm>> -> memref<1x64x128xf32, #tpu.memory_space<hbm>>
      %dma_wait3A_957 = tpu.memref_squeeze %dma_wait3A_956 : memref<1x64x128xf32, #tpu.memory_space<hbm>> -> memref<64x128xf32, #tpu.memory_space<hbm>>
      %dma_wait3A_958 = tpu.memref_slice %arg7[%dma_wait3A_949] : memref<10x!tpu.dma_semaphore, #tpu.memory_space<semaphore_mem>> -> memref<1x!tpu.dma_semaphore, #tpu.memory_space<semaphore_mem>>
      %dma_wait3A_959 = tpu.memref_squeeze %dma_wait3A_958 : memref<1x!tpu.dma_semaphore, #tpu.memory_space<semaphore_mem>> -> memref<!tpu.dma_semaphore, #tpu.memory_space<semaphore_mem>>
      %dma_wait3A_960 = arith.constant 0 : i32
      %dma_wait3A_961 = arith.constant 0 : i32
      %dma_wait3A_962 = tpu.memref_slice %arg6[%dma_wait3A_948, %dma_wait3A_960, %dma_wait3A_961] : memref<10x64x128xf32, #tpu.memory_space<vmem>> -> memref<1x64x128xf32, #tpu.memory_space<vmem>>
      %dma_wait3A_963 = tpu.memref_squeeze %dma_wait3A_962 : memref<1x64x128xf32, #tpu.memory_space<vmem>> -> memref<64x128xf32, #tpu.memory_space<vmem>>
      %dma_wait3A_964 = arith.constant 0 : i32
      %dma_wait3A_965 = arith.constant 0 : i32
      %dma_wait3A_966 = tpu.memref_slice %arg4[%dma_wait3A_947, %dma_wait3A_964, %dma_wait3A_965] : memref<50x4096x128xf32, #tpu.memory_space<hbm>> -> memref<1x64x128xf32, #tpu.memory_space<hbm>>
      %dma_wait3A_967 = tpu.memref_squeeze %dma_wait3A_966 : memref<1x64x128xf32, #tpu.memory_space<hbm>> -> memref<64x128xf32, #tpu.memory_space<hbm>>
      tpu.wait_dma2 semaphore(%dma_wait3A_959 : memref<!tpu.dma_semaphore, #tpu.memory_space<semaphore_mem>>) src(%dma_wait3A_967 : memref<64x128xf32, #tpu.memory_space<hbm>>) dst(%dma_wait3A_963 : memref<64x128xf32, #tpu.memory_space<vmem>>)
      %mul3A_968 = arith.constant 64 : i32
      %mul3A_969 = arith.muli %select_n3A_946, %mul3A_968 : i32
      %add3A_970 = arith.addi %mul3A_2, %mul3A_969 : i32
      %dma_start3A_971 = arith.constant 9 : i32
      %dma_start3A_972 = arith.constant 9 : i32
      %dma_start3A_973 = arith.constant 0 : i32
      %dma_start3A_974 = arith.constant 0 : i32
      %dma_start3A_975 = tpu.memref_slice %arg6[%dma_start3A_971, %dma_start3A_973, %dma_start3A_974] : memref<10x64x128xf32, #tpu.memory_space<vmem>> -> memref<1x64x128xf32, #tpu.memory_space<vmem>>
      %dma_start3A_976 = tpu.memref_squeeze %dma_start3A_975 : memref<1x64x128xf32, #tpu.memory_space<vmem>> -> memref<64x128xf32, #tpu.memory_space<vmem>>
      %dma_start3A_977 = arith.constant 0 : i32
      %dma_start3A_978 = tpu.memref_slice %arg4[%select_n3A_930, %add3A_970, %dma_start3A_977] : memref<50x4096x128xf32, #tpu.memory_space<hbm>> -> memref<1x64x128xf32, #tpu.memory_space<hbm>>
      %dma_start3A_979 = tpu.memref_squeeze %dma_start3A_978 : memref<1x64x128xf32, #tpu.memory_space<hbm>> -> memref<64x128xf32, #tpu.memory_space<hbm>>
      %dma_start3A_980 = tpu.memref_slice %arg8[%dma_start3A_972] : memref<10x!tpu.dma_semaphore, #tpu.memory_space<semaphore_mem>> -> memref<1x!tpu.dma_semaphore, #tpu.memory_space<semaphore_mem>>
      %dma_start3A_981 = tpu.memref_squeeze %dma_start3A_980 : memref<1x!tpu.dma_semaphore, #tpu.memory_space<semaphore_mem>> -> memref<!tpu.dma_semaphore, #tpu.memory_space<semaphore_mem>>
      %dma_start3A_982 = arith.constant 0 : i32
      %dma_start3A_983 = tpu.memref_slice %arg4[%select_n3A_930, %add3A_970, %dma_start3A_982] : memref<50x4096x128xf32, #tpu.memory_space<hbm>> -> memref<1x64x128xf32, #tpu.memory_space<hbm>>
      %dma_start3A_984 = tpu.memref_squeeze %dma_start3A_983 : memref<1x64x128xf32, #tpu.memory_space<hbm>> -> memref<64x128xf32, #tpu.memory_space<hbm>>
      %dma_start3A_985 = arith.constant 0 : i32
      %dma_start3A_986 = arith.constant 0 : i32
      %dma_start3A_987 = tpu.memref_slice %arg6[%dma_start3A_971, %dma_start3A_985, %dma_start3A_986] : memref<10x64x128xf32, #tpu.memory_space<vmem>> -> memref<1x64x128xf32, #tpu.memory_space<vmem>>
      %dma_start3A_988 = tpu.memref_squeeze %dma_start3A_987 : memref<1x64x128xf32, #tpu.memory_space<vmem>> -> memref<64x128xf32, #tpu.memory_space<vmem>>
      tpu.enqueue_dma source(%dma_start3A_988 : memref<64x128xf32, #tpu.memory_space<vmem>>) target(%dma_start3A_984 : memref<64x128xf32, #tpu.memory_space<hbm>>) target_semaphore(%dma_start3A_981 : memref<!tpu.dma_semaphore, #tpu.memory_space<semaphore_mem>>)
      %dma_wait3A_989 = arith.constant 0 : i32
      %dma_wait3A_990 = arith.constant 0 : i32
      %dma_wait3A_991 = arith.constant 0 : i32
      %dma_wait3A_992 = arith.constant 0 : i32
      %dma_wait3A_993 = arith.constant 0 : i32
      %dma_wait3A_994 = tpu.memref_slice %arg6[%dma_wait3A_989, %dma_wait3A_992, %dma_wait3A_993] : memref<10x64x128xf32, #tpu.memory_space<vmem>> -> memref<1x64x128xf32, #tpu.memory_space<vmem>>
      %dma_wait3A_995 = tpu.memref_squeeze %dma_wait3A_994 : memref<1x64x128xf32, #tpu.memory_space<vmem>> -> memref<64x128xf32, #tpu.memory_space<vmem>>
      %dma_wait3A_996 = arith.constant 0 : i32
      %dma_wait3A_997 = arith.constant 0 : i32
      %dma_wait3A_998 = tpu.memref_slice %arg4[%dma_wait3A_990, %dma_wait3A_996, %dma_wait3A_997] : memref<50x4096x128xf32, #tpu.memory_space<hbm>> -> memref<1x64x128xf32, #tpu.memory_space<hbm>>
      %dma_wait3A_999 = tpu.memref_squeeze %dma_wait3A_998 : memref<1x64x128xf32, #tpu.memory_space<hbm>> -> memref<64x128xf32, #tpu.memory_space<hbm>>
      %dma_wait3A_1000 = tpu.memref_slice %arg8[%dma_wait3A_991] : memref<10x!tpu.dma_semaphore, #tpu.memory_space<semaphore_mem>> -> memref<1x!tpu.dma_semaphore, #tpu.memory_space<semaphore_mem>>
      %dma_wait3A_1001 = tpu.memref_squeeze %dma_wait3A_1000 : memref<1x!tpu.dma_semaphore, #tpu.memory_space<semaphore_mem>> -> memref<!tpu.dma_semaphore, #tpu.memory_space<semaphore_mem>>
      %dma_wait3A_1002 = arith.constant 0 : i32
      %dma_wait3A_1003 = arith.constant 0 : i32
      %dma_wait3A_1004 = tpu.memref_slice %arg4[%dma_wait3A_990, %dma_wait3A_1002, %dma_wait3A_1003] : memref<50x4096x128xf32, #tpu.memory_space<hbm>> -> memref<1x64x128xf32, #tpu.memory_space<hbm>>
      %dma_wait3A_1005 = tpu.memref_squeeze %dma_wait3A_1004 : memref<1x64x128xf32, #tpu.memory_space<hbm>> -> memref<64x128xf32, #tpu.memory_space<hbm>>
      %dma_wait3A_1006 = arith.constant 0 : i32
      %dma_wait3A_1007 = arith.constant 0 : i32
      %dma_wait3A_1008 = tpu.memref_slice %arg6[%dma_wait3A_989, %dma_wait3A_1006, %dma_wait3A_1007] : memref<10x64x128xf32, #tpu.memory_space<vmem>> -> memref<1x64x128xf32, #tpu.memory_space<vmem>>
      %dma_wait3A_1009 = tpu.memref_squeeze %dma_wait3A_1008 : memref<1x64x128xf32, #tpu.memory_space<vmem>> -> memref<64x128xf32, #tpu.memory_space<vmem>>
      tpu.wait_dma2 semaphore(%dma_wait3A_1001 : memref<!tpu.dma_semaphore, #tpu.memory_space<semaphore_mem>>) src(%dma_wait3A_1009 : memref<64x128xf32, #tpu.memory_space<vmem>>) dst(%dma_wait3A_1005 : memref<64x128xf32, #tpu.memory_space<hbm>>)
      %add3A_1010 = arith.constant 10 : i32
      %add3A_1011 = arith.addi %mul3A_159, %add3A_1010 : i32
      %add3A_1012 = arith.constant 0 : i32
      %add3A_1013 = arith.addi %add3A_1011, %add3A_1012 : i32
      %lt3A_1014 = arith.constant 100 : i32
      %lt3A_1015 = arith.cmpi slt, %add3A_1013, %lt3A_1014 : i32
      %convert_element_type3A = arith.extui %lt3A_1015 : i1 to i32
      %cond3A = arith.constant 0 : i32
      %cond3A_1016 = arith.cmpi ne, %convert_element_type3A, %cond3A : i32
      scf.if %cond3A_1016 {
        %jit3A_1287 = arith.constant 2 : i32
        %div3A_1288 = arith.divsi %add3A_1013, %jit3A_1287 : i32
        %sign3A_1289 = arith.constant 0 : i32
        %sign3A_1290 = arith.cmpi sgt, %add3A_1013, %sign3A_1289 : i32
        %sign3A_1291 = arith.extui %sign3A_1290 : i1 to i32
        %sign3A_1292 = arith.constant 0 : i32
        %sign3A_1293 = arith.cmpi slt, %add3A_1013, %sign3A_1292 : i32
        %sign3A_1294 = arith.extui %sign3A_1293 : i1 to i32
        %sign3A_1295 = arith.subi %sign3A_1291, %sign3A_1294 : i32
        %sign3A_1296 = arith.constant 0 : i32
        %sign3A_1297 = arith.cmpi sgt, %jit3A_1287, %sign3A_1296 : i32
        %sign3A_1298 = arith.extui %sign3A_1297 : i1 to i32
        %sign3A_1299 = arith.constant 0 : i32
        %sign3A_1300 = arith.cmpi slt, %jit3A_1287, %sign3A_1299 : i32
        %sign3A_1301 = arith.extui %sign3A_1300 : i1 to i32
        %sign3A_1302 = arith.subi %sign3A_1298, %sign3A_1301 : i32
        %ne3A_1303 = arith.cmpi ne, %sign3A_1295, %sign3A_1302 : i32
        %rem3A_1304 = arith.remsi %add3A_1013, %jit3A_1287 : i32
        %ne3A_1305 = arith.constant 0 : i32
        %ne3A_1306 = arith.cmpi ne, %rem3A_1304, %ne3A_1305 : i32
        %and3A_1307 = arith.andi %ne3A_1303, %ne3A_1306 : i1
        %sub3A_1308 = arith.constant 1 : i32
        %sub3A_1309 = arith.subi %div3A_1288, %sub3A_1308 : i32
        %select_n3A_1310 = arith.select %and3A_1307, %sub3A_1309, %div3A_1288 : i32
        %jit3A_1311 = arith.constant 2 : i32
        %eq3A_1312 = arith.constant 0 : i32
        %eq3A_1313 = arith.cmpi eq, %jit3A_1311, %eq3A_1312 : i32
        %jit3A_1314 = arith.constant 1 : i32
        %select_n3A_1315 = arith.select %eq3A_1313, %jit3A_1314, %jit3A_1311 : i32
        %rem3A_1316 = arith.remsi %add3A_1013, %select_n3A_1315 : i32
        %ne3A_1317 = arith.constant 0 : i32
        %ne3A_1318 = arith.cmpi ne, %rem3A_1316, %ne3A_1317 : i32
        %lt3A_1319 = arith.constant 0 : i32
        %lt3A_1320 = arith.cmpi slt, %rem3A_1316, %lt3A_1319 : i32
        %lt3A_1321 = arith.constant 0 : i32
        %lt3A_1322 = arith.cmpi slt, %select_n3A_1315, %lt3A_1321 : i32
        %ne3A_1323 = arith.xori %lt3A_1320, %lt3A_1322 : i1
        %and3A_1324 = arith.andi %ne3A_1323, %ne3A_1318 : i1
        %add3A_1325 = arith.addi %rem3A_1316, %select_n3A_1315 : i32
        %select_n3A_1326 = arith.select %and3A_1324, %add3A_1325, %rem3A_1316 : i32
        %mul3A_1327 = arith.constant 64 : i32
        %mul3A_1328 = arith.muli %select_n3A_1326, %mul3A_1327 : i32
        %dma_start3A_1329 = arith.constant 0 : i32
        %dma_start3A_1330 = arith.constant 0 : i32
        %dma_start3A_1331 = arith.constant 0 : i32
        %dma_start3A_1332 = arith.constant 0 : i32
        %dma_start3A_1333 = tpu.memref_slice %arg6[%dma_start3A_1329, %dma_start3A_1331, %dma_start3A_1332] : memref<10x64x128xf32, #tpu.memory_space<vmem>> -> memref<1x64x128xf32, #tpu.memory_space<vmem>>
        %dma_start3A_1334 = tpu.memref_squeeze %dma_start3A_1333 : memref<1x64x128xf32, #tpu.memory_space<vmem>> -> memref<64x128xf32, #tpu.memory_space<vmem>>
        %dma_start3A_1335 = tpu.memref_slice %arg5[%select_n3A_1310, %mul3A_1328] : memref<50x128xi32, #tpu.memory_space<vmem>> -> memref<1x64xi32, #tpu.memory_space<vmem>>
        %dma_start3A_1336 = tpu.memref_squeeze %dma_start3A_1335 : memref<1x64xi32, #tpu.memory_space<vmem>> -> memref<64xi32, #tpu.memory_space<vmem>>
        %dma_start3A_1337 = arith.constant 0 : i32
        %dma_start3A_1338 = arith.constant 0 : i32
        %dma_start3A_1339 = tpu.memref_slice %arg3[%dma_start3A_1337, %dma_start3A_1338] : memref<100000x128xf32, #tpu.memory_space<hbm>> -> memref<100000x128xf32, #tpu.memory_space<hbm>>
        %dma_start3A_1340 = tpu.memref_slice %arg7[%dma_start3A_1330] : memref<10x!tpu.dma_semaphore, #tpu.memory_space<semaphore_mem>> -> memref<1x!tpu.dma_semaphore, #tpu.memory_space<semaphore_mem>>
        %dma_start3A_1341 = tpu.memref_squeeze %dma_start3A_1340 : memref<1x!tpu.dma_semaphore, #tpu.memory_space<semaphore_mem>> -> memref<!tpu.dma_semaphore, #tpu.memory_space<semaphore_mem>>
        tpu.enqueue_indirect_dma source(%dma_start3A_1339 : memref<100000x128xf32, #tpu.memory_space<hbm>>) target(%dma_start3A_1334 : memref<64x128xf32, #tpu.memory_space<vmem>>) offsets(%dma_start3A_1336 : memref<64xi32, #tpu.memory_space<vmem>>) semaphore(%dma_start3A_1341 : memref<!tpu.dma_semaphore, #tpu.memory_space<semaphore_mem>>)
      } else {
      }
      %dma_wait3A_1017 = arith.constant 1 : i32
      %dma_wait3A_1018 = arith.constant 0 : i32
      %dma_wait3A_1019 = arith.constant 1 : i32
      %dma_wait3A_1020 = arith.constant 0 : i32
      %dma_wait3A_1021 = arith.constant 0 : i32
      %dma_wait3A_1022 = tpu.memref_slice %arg6[%dma_wait3A_1017, %dma_wait3A_1020, %dma_wait3A_1021] : memref<10x64x128xf32, #tpu.memory_space<vmem>> -> memref<1x64x128xf32, #tpu.memory_space<vmem>>
      %dma_wait3A_1023 = tpu.memref_squeeze %dma_wait3A_1022 : memref<1x64x128xf32, #tpu.memory_space<vmem>> -> memref<64x128xf32, #tpu.memory_space<vmem>>
      %dma_wait3A_1024 = arith.constant 0 : i32
      %dma_wait3A_1025 = arith.constant 0 : i32
      %dma_wait3A_1026 = tpu.memref_slice %arg4[%dma_wait3A_1018, %dma_wait3A_1024, %dma_wait3A_1025] : memref<50x4096x128xf32, #tpu.memory_space<hbm>> -> memref<1x64x128xf32, #tpu.memory_space<hbm>>
      %dma_wait3A_1027 = tpu.memref_squeeze %dma_wait3A_1026 : memref<1x64x128xf32, #tpu.memory_space<hbm>> -> memref<64x128xf32, #tpu.memory_space<hbm>>
      %dma_wait3A_1028 = tpu.memref_slice %arg8[%dma_wait3A_1019] : memref<10x!tpu.dma_semaphore, #tpu.memory_space<semaphore_mem>> -> memref<1x!tpu.dma_semaphore, #tpu.memory_space<semaphore_mem>>
      %dma_wait3A_1029 = tpu.memref_squeeze %dma_wait3A_1028 : memref<1x!tpu.dma_semaphore, #tpu.memory_space<semaphore_mem>> -> memref<!tpu.dma_semaphore, #tpu.memory_space<semaphore_mem>>
      %dma_wait3A_1030 = arith.constant 0 : i32
      %dma_wait3A_1031 = arith.constant 0 : i32
      %dma_wait3A_1032 = tpu.memref_slice %arg4[%dma_wait3A_1018, %dma_wait3A_1030, %dma_wait3A_1031] : memref<50x4096x128xf32, #tpu.memory_space<hbm>> -> memref<1x64x128xf32, #tpu.memory_space<hbm>>
      %dma_wait3A_1033 = tpu.memref_squeeze %dma_wait3A_1032 : memref<1x64x128xf32, #tpu.memory_space<hbm>> -> memref<64x128xf32, #tpu.memory_space<hbm>>
      %dma_wait3A_1034 = arith.constant 0 : i32
      %dma_wait3A_1035 = arith.constant 0 : i32
      %dma_wait3A_1036 = tpu.memref_slice %arg6[%dma_wait3A_1017, %dma_wait3A_1034, %dma_wait3A_1035] : memref<10x64x128xf32, #tpu.memory_space<vmem>> -> memref<1x64x128xf32, #tpu.memory_space<vmem>>
      %dma_wait3A_1037 = tpu.memref_squeeze %dma_wait3A_1036 : memref<1x64x128xf32, #tpu.memory_space<vmem>> -> memref<64x128xf32, #tpu.memory_space<vmem>>
      tpu.wait_dma2 semaphore(%dma_wait3A_1029 : memref<!tpu.dma_semaphore, #tpu.memory_space<semaphore_mem>>) src(%dma_wait3A_1037 : memref<64x128xf32, #tpu.memory_space<vmem>>) dst(%dma_wait3A_1033 : memref<64x128xf32, #tpu.memory_space<hbm>>)
      %add3A_1038 = arith.constant 10 : i32
      %add3A_1039 = arith.addi %mul3A_159, %add3A_1038 : i32
      %add3A_1040 = arith.constant 1 : i32
      %add3A_1041 = arith.addi %add3A_1039, %add3A_1040 : i32
      %lt3A_1042 = arith.constant 100 : i32
      %lt3A_1043 = arith.cmpi slt, %add3A_1041, %lt3A_1042 : i32
      %convert_element_type3A_1044 = arith.extui %lt3A_1043 : i1 to i32
      %cond3A_1045 = arith.constant 0 : i32
      %cond3A_1046 = arith.cmpi ne, %convert_element_type3A_1044, %cond3A_1045 : i32
      scf.if %cond3A_1046 {
        %jit3A_1287 = arith.constant 2 : i32
        %div3A_1288 = arith.divsi %add3A_1041, %jit3A_1287 : i32
        %sign3A_1289 = arith.constant 0 : i32
        %sign3A_1290 = arith.cmpi sgt, %add3A_1041, %sign3A_1289 : i32
        %sign3A_1291 = arith.extui %sign3A_1290 : i1 to i32
        %sign3A_1292 = arith.constant 0 : i32
        %sign3A_1293 = arith.cmpi slt, %add3A_1041, %sign3A_1292 : i32
        %sign3A_1294 = arith.extui %sign3A_1293 : i1 to i32
        %sign3A_1295 = arith.subi %sign3A_1291, %sign3A_1294 : i32
        %sign3A_1296 = arith.constant 0 : i32
        %sign3A_1297 = arith.cmpi sgt, %jit3A_1287, %sign3A_1296 : i32
        %sign3A_1298 = arith.extui %sign3A_1297 : i1 to i32
        %sign3A_1299 = arith.constant 0 : i32
        %sign3A_1300 = arith.cmpi slt, %jit3A_1287, %sign3A_1299 : i32
        %sign3A_1301 = arith.extui %sign3A_1300 : i1 to i32
        %sign3A_1302 = arith.subi %sign3A_1298, %sign3A_1301 : i32
        %ne3A_1303 = arith.cmpi ne, %sign3A_1295, %sign3A_1302 : i32
        %rem3A_1304 = arith.remsi %add3A_1041, %jit3A_1287 : i32
        %ne3A_1305 = arith.constant 0 : i32
        %ne3A_1306 = arith.cmpi ne, %rem3A_1304, %ne3A_1305 : i32
        %and3A_1307 = arith.andi %ne3A_1303, %ne3A_1306 : i1
        %sub3A_1308 = arith.constant 1 : i32
        %sub3A_1309 = arith.subi %div3A_1288, %sub3A_1308 : i32
        %select_n3A_1310 = arith.select %and3A_1307, %sub3A_1309, %div3A_1288 : i32
        %jit3A_1311 = arith.constant 2 : i32
        %eq3A_1312 = arith.constant 0 : i32
        %eq3A_1313 = arith.cmpi eq, %jit3A_1311, %eq3A_1312 : i32
        %jit3A_1314 = arith.constant 1 : i32
        %select_n3A_1315 = arith.select %eq3A_1313, %jit3A_1314, %jit3A_1311 : i32
        %rem3A_1316 = arith.remsi %add3A_1041, %select_n3A_1315 : i32
        %ne3A_1317 = arith.constant 0 : i32
        %ne3A_1318 = arith.cmpi ne, %rem3A_1316, %ne3A_1317 : i32
        %lt3A_1319 = arith.constant 0 : i32
        %lt3A_1320 = arith.cmpi slt, %rem3A_1316, %lt3A_1319 : i32
        %lt3A_1321 = arith.constant 0 : i32
        %lt3A_1322 = arith.cmpi slt, %select_n3A_1315, %lt3A_1321 : i32
        %ne3A_1323 = arith.xori %lt3A_1320, %lt3A_1322 : i1
        %and3A_1324 = arith.andi %ne3A_1323, %ne3A_1318 : i1
        %add3A_1325 = arith.addi %rem3A_1316, %select_n3A_1315 : i32
        %select_n3A_1326 = arith.select %and3A_1324, %add3A_1325, %rem3A_1316 : i32
        %mul3A_1327 = arith.constant 64 : i32
        %mul3A_1328 = arith.muli %select_n3A_1326, %mul3A_1327 : i32
        %dma_start3A_1329 = arith.constant 1 : i32
        %dma_start3A_1330 = arith.constant 1 : i32
        %dma_start3A_1331 = arith.constant 0 : i32
        %dma_start3A_1332 = arith.constant 0 : i32
        %dma_start3A_1333 = tpu.memref_slice %arg6[%dma_start3A_1329, %dma_start3A_1331, %dma_start3A_1332] : memref<10x64x128xf32, #tpu.memory_space<vmem>> -> memref<1x64x128xf32, #tpu.memory_space<vmem>>
        %dma_start3A_1334 = tpu.memref_squeeze %dma_start3A_1333 : memref<1x64x128xf32, #tpu.memory_space<vmem>> -> memref<64x128xf32, #tpu.memory_space<vmem>>
        %dma_start3A_1335 = tpu.memref_slice %arg5[%select_n3A_1310, %mul3A_1328] : memref<50x128xi32, #tpu.memory_space<vmem>> -> memref<1x64xi32, #tpu.memory_space<vmem>>
        %dma_start3A_1336 = tpu.memref_squeeze %dma_start3A_1335 : memref<1x64xi32, #tpu.memory_space<vmem>> -> memref<64xi32, #tpu.memory_space<vmem>>
        %dma_start3A_1337 = arith.constant 0 : i32
        %dma_start3A_1338 = arith.constant 0 : i32
        %dma_start3A_1339 = tpu.memref_slice %arg3[%dma_start3A_1337, %dma_start3A_1338] : memref<100000x128xf32, #tpu.memory_space<hbm>> -> memref<100000x128xf32, #tpu.memory_space<hbm>>
        %dma_start3A_1340 = tpu.memref_slice %arg7[%dma_start3A_1330] : memref<10x!tpu.dma_semaphore, #tpu.memory_space<semaphore_mem>> -> memref<1x!tpu.dma_semaphore, #tpu.memory_space<semaphore_mem>>
        %dma_start3A_1341 = tpu.memref_squeeze %dma_start3A_1340 : memref<1x!tpu.dma_semaphore, #tpu.memory_space<semaphore_mem>> -> memref<!tpu.dma_semaphore, #tpu.memory_space<semaphore_mem>>
        tpu.enqueue_indirect_dma source(%dma_start3A_1339 : memref<100000x128xf32, #tpu.memory_space<hbm>>) target(%dma_start3A_1334 : memref<64x128xf32, #tpu.memory_space<vmem>>) offsets(%dma_start3A_1336 : memref<64xi32, #tpu.memory_space<vmem>>) semaphore(%dma_start3A_1341 : memref<!tpu.dma_semaphore, #tpu.memory_space<semaphore_mem>>)
      } else {
      }
      %dma_wait3A_1047 = arith.constant 2 : i32
      %dma_wait3A_1048 = arith.constant 0 : i32
      %dma_wait3A_1049 = arith.constant 2 : i32
      %dma_wait3A_1050 = arith.constant 0 : i32
      %dma_wait3A_1051 = arith.constant 0 : i32
      %dma_wait3A_1052 = tpu.memref_slice %arg6[%dma_wait3A_1047, %dma_wait3A_1050, %dma_wait3A_1051] : memref<10x64x128xf32, #tpu.memory_space<vmem>> -> memref<1x64x128xf32, #tpu.memory_space<vmem>>
      %dma_wait3A_1053 = tpu.memref_squeeze %dma_wait3A_1052 : memref<1x64x128xf32, #tpu.memory_space<vmem>> -> memref<64x128xf32, #tpu.memory_space<vmem>>
      %dma_wait3A_1054 = arith.constant 0 : i32
      %dma_wait3A_1055 = arith.constant 0 : i32
      %dma_wait3A_1056 = tpu.memref_slice %arg4[%dma_wait3A_1048, %dma_wait3A_1054, %dma_wait3A_1055] : memref<50x4096x128xf32, #tpu.memory_space<hbm>> -> memref<1x64x128xf32, #tpu.memory_space<hbm>>
      %dma_wait3A_1057 = tpu.memref_squeeze %dma_wait3A_1056 : memref<1x64x128xf32, #tpu.memory_space<hbm>> -> memref<64x128xf32, #tpu.memory_space<hbm>>
      %dma_wait3A_1058 = tpu.memref_slice %arg8[%dma_wait3A_1049] : memref<10x!tpu.dma_semaphore, #tpu.memory_space<semaphore_mem>> -> memref<1x!tpu.dma_semaphore, #tpu.memory_space<semaphore_mem>>
      %dma_wait3A_1059 = tpu.memref_squeeze %dma_wait3A_1058 : memref<1x!tpu.dma_semaphore, #tpu.memory_space<semaphore_mem>> -> memref<!tpu.dma_semaphore, #tpu.memory_space<semaphore_mem>>
      %dma_wait3A_1060 = arith.constant 0 : i32
      %dma_wait3A_1061 = arith.constant 0 : i32
      %dma_wait3A_1062 = tpu.memref_slice %arg4[%dma_wait3A_1048, %dma_wait3A_1060, %dma_wait3A_1061] : memref<50x4096x128xf32, #tpu.memory_space<hbm>> -> memref<1x64x128xf32, #tpu.memory_space<hbm>>
      %dma_wait3A_1063 = tpu.memref_squeeze %dma_wait3A_1062 : memref<1x64x128xf32, #tpu.memory_space<hbm>> -> memref<64x128xf32, #tpu.memory_space<hbm>>
      %dma_wait3A_1064 = arith.constant 0 : i32
      %dma_wait3A_1065 = arith.constant 0 : i32
      %dma_wait3A_1066 = tpu.memref_slice %arg6[%dma_wait3A_1047, %dma_wait3A_1064, %dma_wait3A_1065] : memref<10x64x128xf32, #tpu.memory_space<vmem>> -> memref<1x64x128xf32, #tpu.memory_space<vmem>>
      %dma_wait3A_1067 = tpu.memref_squeeze %dma_wait3A_1066 : memref<1x64x128xf32, #tpu.memory_space<vmem>> -> memref<64x128xf32, #tpu.memory_space<vmem>>
      tpu.wait_dma2 semaphore(%dma_wait3A_1059 : memref<!tpu.dma_semaphore, #tpu.memory_space<semaphore_mem>>) src(%dma_wait3A_1067 : memref<64x128xf32, #tpu.memory_space<vmem>>) dst(%dma_wait3A_1063 : memref<64x128xf32, #tpu.memory_space<hbm>>)
      %add3A_1068 = arith.constant 10 : i32
      %add3A_1069 = arith.addi %mul3A_159, %add3A_1068 : i32
      %add3A_1070 = arith.constant 2 : i32
      %add3A_1071 = arith.addi %add3A_1069, %add3A_1070 : i32
      %lt3A_1072 = arith.constant 100 : i32
      %lt3A_1073 = arith.cmpi slt, %add3A_1071, %lt3A_1072 : i32
      %convert_element_type3A_1074 = arith.extui %lt3A_1073 : i1 to i32
      %cond3A_1075 = arith.constant 0 : i32
      %cond3A_1076 = arith.cmpi ne, %convert_element_type3A_1074, %cond3A_1075 : i32
      scf.if %cond3A_1076 {
        %jit3A_1287 = arith.constant 2 : i32
        %div3A_1288 = arith.divsi %add3A_1071, %jit3A_1287 : i32
        %sign3A_1289 = arith.constant 0 : i32
        %sign3A_1290 = arith.cmpi sgt, %add3A_1071, %sign3A_1289 : i32
        %sign3A_1291 = arith.extui %sign3A_1290 : i1 to i32
        %sign3A_1292 = arith.constant 0 : i32
        %sign3A_1293 = arith.cmpi slt, %add3A_1071, %sign3A_1292 : i32
        %sign3A_1294 = arith.extui %sign3A_1293 : i1 to i32
        %sign3A_1295 = arith.subi %sign3A_1291, %sign3A_1294 : i32
        %sign3A_1296 = arith.constant 0 : i32
        %sign3A_1297 = arith.cmpi sgt, %jit3A_1287, %sign3A_1296 : i32
        %sign3A_1298 = arith.extui %sign3A_1297 : i1 to i32
        %sign3A_1299 = arith.constant 0 : i32
        %sign3A_1300 = arith.cmpi slt, %jit3A_1287, %sign3A_1299 : i32
        %sign3A_1301 = arith.extui %sign3A_1300 : i1 to i32
        %sign3A_1302 = arith.subi %sign3A_1298, %sign3A_1301 : i32
        %ne3A_1303 = arith.cmpi ne, %sign3A_1295, %sign3A_1302 : i32
        %rem3A_1304 = arith.remsi %add3A_1071, %jit3A_1287 : i32
        %ne3A_1305 = arith.constant 0 : i32
        %ne3A_1306 = arith.cmpi ne, %rem3A_1304, %ne3A_1305 : i32
        %and3A_1307 = arith.andi %ne3A_1303, %ne3A_1306 : i1
        %sub3A_1308 = arith.constant 1 : i32
        %sub3A_1309 = arith.subi %div3A_1288, %sub3A_1308 : i32
        %select_n3A_1310 = arith.select %and3A_1307, %sub3A_1309, %div3A_1288 : i32
        %jit3A_1311 = arith.constant 2 : i32
        %eq3A_1312 = arith.constant 0 : i32
        %eq3A_1313 = arith.cmpi eq, %jit3A_1311, %eq3A_1312 : i32
        %jit3A_1314 = arith.constant 1 : i32
        %select_n3A_1315 = arith.select %eq3A_1313, %jit3A_1314, %jit3A_1311 : i32
        %rem3A_1316 = arith.remsi %add3A_1071, %select_n3A_1315 : i32
        %ne3A_1317 = arith.constant 0 : i32
        %ne3A_1318 = arith.cmpi ne, %rem3A_1316, %ne3A_1317 : i32
        %lt3A_1319 = arith.constant 0 : i32
        %lt3A_1320 = arith.cmpi slt, %rem3A_1316, %lt3A_1319 : i32
        %lt3A_1321 = arith.constant 0 : i32
        %lt3A_1322 = arith.cmpi slt, %select_n3A_1315, %lt3A_1321 : i32
        %ne3A_1323 = arith.xori %lt3A_1320, %lt3A_1322 : i1
        %and3A_1324 = arith.andi %ne3A_1323, %ne3A_1318 : i1
        %add3A_1325 = arith.addi %rem3A_1316, %select_n3A_1315 : i32
        %select_n3A_1326 = arith.select %and3A_1324, %add3A_1325, %rem3A_1316 : i32
        %mul3A_1327 = arith.constant 64 : i32
        %mul3A_1328 = arith.muli %select_n3A_1326, %mul3A_1327 : i32
        %dma_start3A_1329 = arith.constant 2 : i32
        %dma_start3A_1330 = arith.constant 2 : i32
        %dma_start3A_1331 = arith.constant 0 : i32
        %dma_start3A_1332 = arith.constant 0 : i32
        %dma_start3A_1333 = tpu.memref_slice %arg6[%dma_start3A_1329, %dma_start3A_1331, %dma_start3A_1332] : memref<10x64x128xf32, #tpu.memory_space<vmem>> -> memref<1x64x128xf32, #tpu.memory_space<vmem>>
        %dma_start3A_1334 = tpu.memref_squeeze %dma_start3A_1333 : memref<1x64x128xf32, #tpu.memory_space<vmem>> -> memref<64x128xf32, #tpu.memory_space<vmem>>
        %dma_start3A_1335 = tpu.memref_slice %arg5[%select_n3A_1310, %mul3A_1328] : memref<50x128xi32, #tpu.memory_space<vmem>> -> memref<1x64xi32, #tpu.memory_space<vmem>>
        %dma_start3A_1336 = tpu.memref_squeeze %dma_start3A_1335 : memref<1x64xi32, #tpu.memory_space<vmem>> -> memref<64xi32, #tpu.memory_space<vmem>>
        %dma_start3A_1337 = arith.constant 0 : i32
        %dma_start3A_1338 = arith.constant 0 : i32
        %dma_start3A_1339 = tpu.memref_slice %arg3[%dma_start3A_1337, %dma_start3A_1338] : memref<100000x128xf32, #tpu.memory_space<hbm>> -> memref<100000x128xf32, #tpu.memory_space<hbm>>
        %dma_start3A_1340 = tpu.memref_slice %arg7[%dma_start3A_1330] : memref<10x!tpu.dma_semaphore, #tpu.memory_space<semaphore_mem>> -> memref<1x!tpu.dma_semaphore, #tpu.memory_space<semaphore_mem>>
        %dma_start3A_1341 = tpu.memref_squeeze %dma_start3A_1340 : memref<1x!tpu.dma_semaphore, #tpu.memory_space<semaphore_mem>> -> memref<!tpu.dma_semaphore, #tpu.memory_space<semaphore_mem>>
        tpu.enqueue_indirect_dma source(%dma_start3A_1339 : memref<100000x128xf32, #tpu.memory_space<hbm>>) target(%dma_start3A_1334 : memref<64x128xf32, #tpu.memory_space<vmem>>) offsets(%dma_start3A_1336 : memref<64xi32, #tpu.memory_space<vmem>>) semaphore(%dma_start3A_1341 : memref<!tpu.dma_semaphore, #tpu.memory_space<semaphore_mem>>)
      } else {
      }
      %dma_wait3A_1077 = arith.constant 3 : i32
      %dma_wait3A_1078 = arith.constant 0 : i32
      %dma_wait3A_1079 = arith.constant 3 : i32
      %dma_wait3A_1080 = arith.constant 0 : i32
      %dma_wait3A_1081 = arith.constant 0 : i32
      %dma_wait3A_1082 = tpu.memref_slice %arg6[%dma_wait3A_1077, %dma_wait3A_1080, %dma_wait3A_1081] : memref<10x64x128xf32, #tpu.memory_space<vmem>> -> memref<1x64x128xf32, #tpu.memory_space<vmem>>
      %dma_wait3A_1083 = tpu.memref_squeeze %dma_wait3A_1082 : memref<1x64x128xf32, #tpu.memory_space<vmem>> -> memref<64x128xf32, #tpu.memory_space<vmem>>
      %dma_wait3A_1084 = arith.constant 0 : i32
      %dma_wait3A_1085 = arith.constant 0 : i32
      %dma_wait3A_1086 = tpu.memref_slice %arg4[%dma_wait3A_1078, %dma_wait3A_1084, %dma_wait3A_1085] : memref<50x4096x128xf32, #tpu.memory_space<hbm>> -> memref<1x64x128xf32, #tpu.memory_space<hbm>>
      %dma_wait3A_1087 = tpu.memref_squeeze %dma_wait3A_1086 : memref<1x64x128xf32, #tpu.memory_space<hbm>> -> memref<64x128xf32, #tpu.memory_space<hbm>>
      %dma_wait3A_1088 = tpu.memref_slice %arg8[%dma_wait3A_1079] : memref<10x!tpu.dma_semaphore, #tpu.memory_space<semaphore_mem>> -> memref<1x!tpu.dma_semaphore, #tpu.memory_space<semaphore_mem>>
      %dma_wait3A_1089 = tpu.memref_squeeze %dma_wait3A_1088 : memref<1x!tpu.dma_semaphore, #tpu.memory_space<semaphore_mem>> -> memref<!tpu.dma_semaphore, #tpu.memory_space<semaphore_mem>>
      %dma_wait3A_1090 = arith.constant 0 : i32
      %dma_wait3A_1091 = arith.constant 0 : i32
      %dma_wait3A_1092 = tpu.memref_slice %arg4[%dma_wait3A_1078, %dma_wait3A_1090, %dma_wait3A_1091] : memref<50x4096x128xf32, #tpu.memory_space<hbm>> -> memref<1x64x128xf32, #tpu.memory_space<hbm>>
      %dma_wait3A_1093 = tpu.memref_squeeze %dma_wait3A_1092 : memref<1x64x128xf32, #tpu.memory_space<hbm>> -> memref<64x128xf32, #tpu.memory_space<hbm>>
      %dma_wait3A_1094 = arith.constant 0 : i32
      %dma_wait3A_1095 = arith.constant 0 : i32
      %dma_wait3A_1096 = tpu.memref_slice %arg6[%dma_wait3A_1077, %dma_wait3A_1094, %dma_wait3A_1095] : memref<10x64x128xf32, #tpu.memory_space<vmem>> -> memref<1x64x128xf32, #tpu.memory_space<vmem>>
      %dma_wait3A_1097 = tpu.memref_squeeze %dma_wait3A_1096 : memref<1x64x128xf32, #tpu.memory_space<vmem>> -> memref<64x128xf32, #tpu.memory_space<vmem>>
      tpu.wait_dma2 semaphore(%dma_wait3A_1089 : memref<!tpu.dma_semaphore, #tpu.memory_space<semaphore_mem>>) src(%dma_wait3A_1097 : memref<64x128xf32, #tpu.memory_space<vmem>>) dst(%dma_wait3A_1093 : memref<64x128xf32, #tpu.memory_space<hbm>>)
      %add3A_1098 = arith.constant 10 : i32
      %add3A_1099 = arith.addi %mul3A_159, %add3A_1098 : i32
      %add3A_1100 = arith.constant 3 : i32
      %add3A_1101 = arith.addi %add3A_1099, %add3A_1100 : i32
      %lt3A_1102 = arith.constant 100 : i32
      %lt3A_1103 = arith.cmpi slt, %add3A_1101, %lt3A_1102 : i32
      %convert_element_type3A_1104 = arith.extui %lt3A_1103 : i1 to i32
      %cond3A_1105 = arith.constant 0 : i32
      %cond3A_1106 = arith.cmpi ne, %convert_element_type3A_1104, %cond3A_1105 : i32
      scf.if %cond3A_1106 {
        %jit3A_1287 = arith.constant 2 : i32
        %div3A_1288 = arith.divsi %add3A_1101, %jit3A_1287 : i32
        %sign3A_1289 = arith.constant 0 : i32
        %sign3A_1290 = arith.cmpi sgt, %add3A_1101, %sign3A_1289 : i32
        %sign3A_1291 = arith.extui %sign3A_1290 : i1 to i32
        %sign3A_1292 = arith.constant 0 : i32
        %sign3A_1293 = arith.cmpi slt, %add3A_1101, %sign3A_1292 : i32
        %sign3A_1294 = arith.extui %sign3A_1293 : i1 to i32
        %sign3A_1295 = arith.subi %sign3A_1291, %sign3A_1294 : i32
        %sign3A_1296 = arith.constant 0 : i32
        %sign3A_1297 = arith.cmpi sgt, %jit3A_1287, %sign3A_1296 : i32
        %sign3A_1298 = arith.extui %sign3A_1297 : i1 to i32
        %sign3A_1299 = arith.constant 0 : i32
        %sign3A_1300 = arith.cmpi slt, %jit3A_1287, %sign3A_1299 : i32
        %sign3A_1301 = arith.extui %sign3A_1300 : i1 to i32
        %sign3A_1302 = arith.subi %sign3A_1298, %sign3A_1301 : i32
        %ne3A_1303 = arith.cmpi ne, %sign3A_1295, %sign3A_1302 : i32
        %rem3A_1304 = arith.remsi %add3A_1101, %jit3A_1287 : i32
        %ne3A_1305 = arith.constant 0 : i32
        %ne3A_1306 = arith.cmpi ne, %rem3A_1304, %ne3A_1305 : i32
        %and3A_1307 = arith.andi %ne3A_1303, %ne3A_1306 : i1
        %sub3A_1308 = arith.constant 1 : i32
        %sub3A_1309 = arith.subi %div3A_1288, %sub3A_1308 : i32
        %select_n3A_1310 = arith.select %and3A_1307, %sub3A_1309, %div3A_1288 : i32
        %jit3A_1311 = arith.constant 2 : i32
        %eq3A_1312 = arith.constant 0 : i32
        %eq3A_1313 = arith.cmpi eq, %jit3A_1311, %eq3A_1312 : i32
        %jit3A_1314 = arith.constant 1 : i32
        %select_n3A_1315 = arith.select %eq3A_1313, %jit3A_1314, %jit3A_1311 : i32
        %rem3A_1316 = arith.remsi %add3A_1101, %select_n3A_1315 : i32
        %ne3A_1317 = arith.constant 0 : i32
        %ne3A_1318 = arith.cmpi ne, %rem3A_1316, %ne3A_1317 : i32
        %lt3A_1319 = arith.constant 0 : i32
        %lt3A_1320 = arith.cmpi slt, %rem3A_1316, %lt3A_1319 : i32
        %lt3A_1321 = arith.constant 0 : i32
        %lt3A_1322 = arith.cmpi slt, %select_n3A_1315, %lt3A_1321 : i32
        %ne3A_1323 = arith.xori %lt3A_1320, %lt3A_1322 : i1
        %and3A_1324 = arith.andi %ne3A_1323, %ne3A_1318 : i1
        %add3A_1325 = arith.addi %rem3A_1316, %select_n3A_1315 : i32
        %select_n3A_1326 = arith.select %and3A_1324, %add3A_1325, %rem3A_1316 : i32
        %mul3A_1327 = arith.constant 64 : i32
        %mul3A_1328 = arith.muli %select_n3A_1326, %mul3A_1327 : i32
        %dma_start3A_1329 = arith.constant 3 : i32
        %dma_start3A_1330 = arith.constant 3 : i32
        %dma_start3A_1331 = arith.constant 0 : i32
        %dma_start3A_1332 = arith.constant 0 : i32
        %dma_start3A_1333 = tpu.memref_slice %arg6[%dma_start3A_1329, %dma_start3A_1331, %dma_start3A_1332] : memref<10x64x128xf32, #tpu.memory_space<vmem>> -> memref<1x64x128xf32, #tpu.memory_space<vmem>>
        %dma_start3A_1334 = tpu.memref_squeeze %dma_start3A_1333 : memref<1x64x128xf32, #tpu.memory_space<vmem>> -> memref<64x128xf32, #tpu.memory_space<vmem>>
        %dma_start3A_1335 = tpu.memref_slice %arg5[%select_n3A_1310, %mul3A_1328] : memref<50x128xi32, #tpu.memory_space<vmem>> -> memref<1x64xi32, #tpu.memory_space<vmem>>
        %dma_start3A_1336 = tpu.memref_squeeze %dma_start3A_1335 : memref<1x64xi32, #tpu.memory_space<vmem>> -> memref<64xi32, #tpu.memory_space<vmem>>
        %dma_start3A_1337 = arith.constant 0 : i32
        %dma_start3A_1338 = arith.constant 0 : i32
        %dma_start3A_1339 = tpu.memref_slice %arg3[%dma_start3A_1337, %dma_start3A_1338] : memref<100000x128xf32, #tpu.memory_space<hbm>> -> memref<100000x128xf32, #tpu.memory_space<hbm>>
        %dma_start3A_1340 = tpu.memref_slice %arg7[%dma_start3A_1330] : memref<10x!tpu.dma_semaphore, #tpu.memory_space<semaphore_mem>> -> memref<1x!tpu.dma_semaphore, #tpu.memory_space<semaphore_mem>>
        %dma_start3A_1341 = tpu.memref_squeeze %dma_start3A_1340 : memref<1x!tpu.dma_semaphore, #tpu.memory_space<semaphore_mem>> -> memref<!tpu.dma_semaphore, #tpu.memory_space<semaphore_mem>>
        tpu.enqueue_indirect_dma source(%dma_start3A_1339 : memref<100000x128xf32, #tpu.memory_space<hbm>>) target(%dma_start3A_1334 : memref<64x128xf32, #tpu.memory_space<vmem>>) offsets(%dma_start3A_1336 : memref<64xi32, #tpu.memory_space<vmem>>) semaphore(%dma_start3A_1341 : memref<!tpu.dma_semaphore, #tpu.memory_space<semaphore_mem>>)
      } else {
      }
      %dma_wait3A_1107 = arith.constant 4 : i32
      %dma_wait3A_1108 = arith.constant 0 : i32
      %dma_wait3A_1109 = arith.constant 4 : i32
      %dma_wait3A_1110 = arith.constant 0 : i32
      %dma_wait3A_1111 = arith.constant 0 : i32
      %dma_wait3A_1112 = tpu.memref_slice %arg6[%dma_wait3A_1107, %dma_wait3A_1110, %dma_wait3A_1111] : memref<10x64x128xf32, #tpu.memory_space<vmem>> -> memref<1x64x128xf32, #tpu.memory_space<vmem>>
      %dma_wait3A_1113 = tpu.memref_squeeze %dma_wait3A_1112 : memref<1x64x128xf32, #tpu.memory_space<vmem>> -> memref<64x128xf32, #tpu.memory_space<vmem>>
      %dma_wait3A_1114 = arith.constant 0 : i32
      %dma_wait3A_1115 = arith.constant 0 : i32
      %dma_wait3A_1116 = tpu.memref_slice %arg4[%dma_wait3A_1108, %dma_wait3A_1114, %dma_wait3A_1115] : memref<50x4096x128xf32, #tpu.memory_space<hbm>> -> memref<1x64x128xf32, #tpu.memory_space<hbm>>
      %dma_wait3A_1117 = tpu.memref_squeeze %dma_wait3A_1116 : memref<1x64x128xf32, #tpu.memory_space<hbm>> -> memref<64x128xf32, #tpu.memory_space<hbm>>
      %dma_wait3A_1118 = tpu.memref_slice %arg8[%dma_wait3A_1109] : memref<10x!tpu.dma_semaphore, #tpu.memory_space<semaphore_mem>> -> memref<1x!tpu.dma_semaphore, #tpu.memory_space<semaphore_mem>>
      %dma_wait3A_1119 = tpu.memref_squeeze %dma_wait3A_1118 : memref<1x!tpu.dma_semaphore, #tpu.memory_space<semaphore_mem>> -> memref<!tpu.dma_semaphore, #tpu.memory_space<semaphore_mem>>
      %dma_wait3A_1120 = arith.constant 0 : i32
      %dma_wait3A_1121 = arith.constant 0 : i32
      %dma_wait3A_1122 = tpu.memref_slice %arg4[%dma_wait3A_1108, %dma_wait3A_1120, %dma_wait3A_1121] : memref<50x4096x128xf32, #tpu.memory_space<hbm>> -> memref<1x64x128xf32, #tpu.memory_space<hbm>>
      %dma_wait3A_1123 = tpu.memref_squeeze %dma_wait3A_1122 : memref<1x64x128xf32, #tpu.memory_space<hbm>> -> memref<64x128xf32, #tpu.memory_space<hbm>>
      %dma_wait3A_1124 = arith.constant 0 : i32
      %dma_wait3A_1125 = arith.constant 0 : i32
      %dma_wait3A_1126 = tpu.memref_slice %arg6[%dma_wait3A_1107, %dma_wait3A_1124, %dma_wait3A_1125] : memref<10x64x128xf32, #tpu.memory_space<vmem>> -> memref<1x64x128xf32, #tpu.memory_space<vmem>>
      %dma_wait3A_1127 = tpu.memref_squeeze %dma_wait3A_1126 : memref<1x64x128xf32, #tpu.memory_space<vmem>> -> memref<64x128xf32, #tpu.memory_space<vmem>>
      tpu.wait_dma2 semaphore(%dma_wait3A_1119 : memref<!tpu.dma_semaphore, #tpu.memory_space<semaphore_mem>>) src(%dma_wait3A_1127 : memref<64x128xf32, #tpu.memory_space<vmem>>) dst(%dma_wait3A_1123 : memref<64x128xf32, #tpu.memory_space<hbm>>)
      %add3A_1128 = arith.constant 10 : i32
      %add3A_1129 = arith.addi %mul3A_159, %add3A_1128 : i32
      %add3A_1130 = arith.constant 4 : i32
      %add3A_1131 = arith.addi %add3A_1129, %add3A_1130 : i32
      %lt3A_1132 = arith.constant 100 : i32
      %lt3A_1133 = arith.cmpi slt, %add3A_1131, %lt3A_1132 : i32
      %convert_element_type3A_1134 = arith.extui %lt3A_1133 : i1 to i32
      %cond3A_1135 = arith.constant 0 : i32
      %cond3A_1136 = arith.cmpi ne, %convert_element_type3A_1134, %cond3A_1135 : i32
      scf.if %cond3A_1136 {
        %jit3A_1287 = arith.constant 2 : i32
        %div3A_1288 = arith.divsi %add3A_1131, %jit3A_1287 : i32
        %sign3A_1289 = arith.constant 0 : i32
        %sign3A_1290 = arith.cmpi sgt, %add3A_1131, %sign3A_1289 : i32
        %sign3A_1291 = arith.extui %sign3A_1290 : i1 to i32
        %sign3A_1292 = arith.constant 0 : i32
        %sign3A_1293 = arith.cmpi slt, %add3A_1131, %sign3A_1292 : i32
        %sign3A_1294 = arith.extui %sign3A_1293 : i1 to i32
        %sign3A_1295 = arith.subi %sign3A_1291, %sign3A_1294 : i32
        %sign3A_1296 = arith.constant 0 : i32
        %sign3A_1297 = arith.cmpi sgt, %jit3A_1287, %sign3A_1296 : i32
        %sign3A_1298 = arith.extui %sign3A_1297 : i1 to i32
        %sign3A_1299 = arith.constant 0 : i32
        %sign3A_1300 = arith.cmpi slt, %jit3A_1287, %sign3A_1299 : i32
        %sign3A_1301 = arith.extui %sign3A_1300 : i1 to i32
        %sign3A_1302 = arith.subi %sign3A_1298, %sign3A_1301 : i32
        %ne3A_1303 = arith.cmpi ne, %sign3A_1295, %sign3A_1302 : i32
        %rem3A_1304 = arith.remsi %add3A_1131, %jit3A_1287 : i32
        %ne3A_1305 = arith.constant 0 : i32
        %ne3A_1306 = arith.cmpi ne, %rem3A_1304, %ne3A_1305 : i32
        %and3A_1307 = arith.andi %ne3A_1303, %ne3A_1306 : i1
        %sub3A_1308 = arith.constant 1 : i32
        %sub3A_1309 = arith.subi %div3A_1288, %sub3A_1308 : i32
        %select_n3A_1310 = arith.select %and3A_1307, %sub3A_1309, %div3A_1288 : i32
        %jit3A_1311 = arith.constant 2 : i32
        %eq3A_1312 = arith.constant 0 : i32
        %eq3A_1313 = arith.cmpi eq, %jit3A_1311, %eq3A_1312 : i32
        %jit3A_1314 = arith.constant 1 : i32
        %select_n3A_1315 = arith.select %eq3A_1313, %jit3A_1314, %jit3A_1311 : i32
        %rem3A_1316 = arith.remsi %add3A_1131, %select_n3A_1315 : i32
        %ne3A_1317 = arith.constant 0 : i32
        %ne3A_1318 = arith.cmpi ne, %rem3A_1316, %ne3A_1317 : i32
        %lt3A_1319 = arith.constant 0 : i32
        %lt3A_1320 = arith.cmpi slt, %rem3A_1316, %lt3A_1319 : i32
        %lt3A_1321 = arith.constant 0 : i32
        %lt3A_1322 = arith.cmpi slt, %select_n3A_1315, %lt3A_1321 : i32
        %ne3A_1323 = arith.xori %lt3A_1320, %lt3A_1322 : i1
        %and3A_1324 = arith.andi %ne3A_1323, %ne3A_1318 : i1
        %add3A_1325 = arith.addi %rem3A_1316, %select_n3A_1315 : i32
        %select_n3A_1326 = arith.select %and3A_1324, %add3A_1325, %rem3A_1316 : i32
        %mul3A_1327 = arith.constant 64 : i32
        %mul3A_1328 = arith.muli %select_n3A_1326, %mul3A_1327 : i32
        %dma_start3A_1329 = arith.constant 4 : i32
        %dma_start3A_1330 = arith.constant 4 : i32
        %dma_start3A_1331 = arith.constant 0 : i32
        %dma_start3A_1332 = arith.constant 0 : i32
        %dma_start3A_1333 = tpu.memref_slice %arg6[%dma_start3A_1329, %dma_start3A_1331, %dma_start3A_1332] : memref<10x64x128xf32, #tpu.memory_space<vmem>> -> memref<1x64x128xf32, #tpu.memory_space<vmem>>
        %dma_start3A_1334 = tpu.memref_squeeze %dma_start3A_1333 : memref<1x64x128xf32, #tpu.memory_space<vmem>> -> memref<64x128xf32, #tpu.memory_space<vmem>>
        %dma_start3A_1335 = tpu.memref_slice %arg5[%select_n3A_1310, %mul3A_1328] : memref<50x128xi32, #tpu.memory_space<vmem>> -> memref<1x64xi32, #tpu.memory_space<vmem>>
        %dma_start3A_1336 = tpu.memref_squeeze %dma_start3A_1335 : memref<1x64xi32, #tpu.memory_space<vmem>> -> memref<64xi32, #tpu.memory_space<vmem>>
        %dma_start3A_1337 = arith.constant 0 : i32
        %dma_start3A_1338 = arith.constant 0 : i32
        %dma_start3A_1339 = tpu.memref_slice %arg3[%dma_start3A_1337, %dma_start3A_1338] : memref<100000x128xf32, #tpu.memory_space<hbm>> -> memref<100000x128xf32, #tpu.memory_space<hbm>>
        %dma_start3A_1340 = tpu.memref_slice %arg7[%dma_start3A_1330] : memref<10x!tpu.dma_semaphore, #tpu.memory_space<semaphore_mem>> -> memref<1x!tpu.dma_semaphore, #tpu.memory_space<semaphore_mem>>
        %dma_start3A_1341 = tpu.memref_squeeze %dma_start3A_1340 : memref<1x!tpu.dma_semaphore, #tpu.memory_space<semaphore_mem>> -> memref<!tpu.dma_semaphore, #tpu.memory_space<semaphore_mem>>
        tpu.enqueue_indirect_dma source(%dma_start3A_1339 : memref<100000x128xf32, #tpu.memory_space<hbm>>) target(%dma_start3A_1334 : memref<64x128xf32, #tpu.memory_space<vmem>>) offsets(%dma_start3A_1336 : memref<64xi32, #tpu.memory_space<vmem>>) semaphore(%dma_start3A_1341 : memref<!tpu.dma_semaphore, #tpu.memory_space<semaphore_mem>>)
      } else {
      }
      %dma_wait3A_1137 = arith.constant 5 : i32
      %dma_wait3A_1138 = arith.constant 0 : i32
      %dma_wait3A_1139 = arith.constant 5 : i32
      %dma_wait3A_1140 = arith.constant 0 : i32
      %dma_wait3A_1141 = arith.constant 0 : i32
      %dma_wait3A_1142 = tpu.memref_slice %arg6[%dma_wait3A_1137, %dma_wait3A_1140, %dma_wait3A_1141] : memref<10x64x128xf32, #tpu.memory_space<vmem>> -> memref<1x64x128xf32, #tpu.memory_space<vmem>>
      %dma_wait3A_1143 = tpu.memref_squeeze %dma_wait3A_1142 : memref<1x64x128xf32, #tpu.memory_space<vmem>> -> memref<64x128xf32, #tpu.memory_space<vmem>>
      %dma_wait3A_1144 = arith.constant 0 : i32
      %dma_wait3A_1145 = arith.constant 0 : i32
      %dma_wait3A_1146 = tpu.memref_slice %arg4[%dma_wait3A_1138, %dma_wait3A_1144, %dma_wait3A_1145] : memref<50x4096x128xf32, #tpu.memory_space<hbm>> -> memref<1x64x128xf32, #tpu.memory_space<hbm>>
      %dma_wait3A_1147 = tpu.memref_squeeze %dma_wait3A_1146 : memref<1x64x128xf32, #tpu.memory_space<hbm>> -> memref<64x128xf32, #tpu.memory_space<hbm>>
      %dma_wait3A_1148 = tpu.memref_slice %arg8[%dma_wait3A_1139] : memref<10x!tpu.dma_semaphore, #tpu.memory_space<semaphore_mem>> -> memref<1x!tpu.dma_semaphore, #tpu.memory_space<semaphore_mem>>
      %dma_wait3A_1149 = tpu.memref_squeeze %dma_wait3A_1148 : memref<1x!tpu.dma_semaphore, #tpu.memory_space<semaphore_mem>> -> memref<!tpu.dma_semaphore, #tpu.memory_space<semaphore_mem>>
      %dma_wait3A_1150 = arith.constant 0 : i32
      %dma_wait3A_1151 = arith.constant 0 : i32
      %dma_wait3A_1152 = tpu.memref_slice %arg4[%dma_wait3A_1138, %dma_wait3A_1150, %dma_wait3A_1151] : memref<50x4096x128xf32, #tpu.memory_space<hbm>> -> memref<1x64x128xf32, #tpu.memory_space<hbm>>
      %dma_wait3A_1153 = tpu.memref_squeeze %dma_wait3A_1152 : memref<1x64x128xf32, #tpu.memory_space<hbm>> -> memref<64x128xf32, #tpu.memory_space<hbm>>
      %dma_wait3A_1154 = arith.constant 0 : i32
      %dma_wait3A_1155 = arith.constant 0 : i32
      %dma_wait3A_1156 = tpu.memref_slice %arg6[%dma_wait3A_1137, %dma_wait3A_1154, %dma_wait3A_1155] : memref<10x64x128xf32, #tpu.memory_space<vmem>> -> memref<1x64x128xf32, #tpu.memory_space<vmem>>
      %dma_wait3A_1157 = tpu.memref_squeeze %dma_wait3A_1156 : memref<1x64x128xf32, #tpu.memory_space<vmem>> -> memref<64x128xf32, #tpu.memory_space<vmem>>
      tpu.wait_dma2 semaphore(%dma_wait3A_1149 : memref<!tpu.dma_semaphore, #tpu.memory_space<semaphore_mem>>) src(%dma_wait3A_1157 : memref<64x128xf32, #tpu.memory_space<vmem>>) dst(%dma_wait3A_1153 : memref<64x128xf32, #tpu.memory_space<hbm>>)
      %add3A_1158 = arith.constant 10 : i32
      %add3A_1159 = arith.addi %mul3A_159, %add3A_1158 : i32
      %add3A_1160 = arith.constant 5 : i32
      %add3A_1161 = arith.addi %add3A_1159, %add3A_1160 : i32
      %lt3A_1162 = arith.constant 100 : i32
      %lt3A_1163 = arith.cmpi slt, %add3A_1161, %lt3A_1162 : i32
      %convert_element_type3A_1164 = arith.extui %lt3A_1163 : i1 to i32
      %cond3A_1165 = arith.constant 0 : i32
      %cond3A_1166 = arith.cmpi ne, %convert_element_type3A_1164, %cond3A_1165 : i32
      scf.if %cond3A_1166 {
        %jit3A_1287 = arith.constant 2 : i32
        %div3A_1288 = arith.divsi %add3A_1161, %jit3A_1287 : i32
        %sign3A_1289 = arith.constant 0 : i32
        %sign3A_1290 = arith.cmpi sgt, %add3A_1161, %sign3A_1289 : i32
        %sign3A_1291 = arith.extui %sign3A_1290 : i1 to i32
        %sign3A_1292 = arith.constant 0 : i32
        %sign3A_1293 = arith.cmpi slt, %add3A_1161, %sign3A_1292 : i32
        %sign3A_1294 = arith.extui %sign3A_1293 : i1 to i32
        %sign3A_1295 = arith.subi %sign3A_1291, %sign3A_1294 : i32
        %sign3A_1296 = arith.constant 0 : i32
        %sign3A_1297 = arith.cmpi sgt, %jit3A_1287, %sign3A_1296 : i32
        %sign3A_1298 = arith.extui %sign3A_1297 : i1 to i32
        %sign3A_1299 = arith.constant 0 : i32
        %sign3A_1300 = arith.cmpi slt, %jit3A_1287, %sign3A_1299 : i32
        %sign3A_1301 = arith.extui %sign3A_1300 : i1 to i32
        %sign3A_1302 = arith.subi %sign3A_1298, %sign3A_1301 : i32
        %ne3A_1303 = arith.cmpi ne, %sign3A_1295, %sign3A_1302 : i32
        %rem3A_1304 = arith.remsi %add3A_1161, %jit3A_1287 : i32
        %ne3A_1305 = arith.constant 0 : i32
        %ne3A_1306 = arith.cmpi ne, %rem3A_1304, %ne3A_1305 : i32
        %and3A_1307 = arith.andi %ne3A_1303, %ne3A_1306 : i1
        %sub3A_1308 = arith.constant 1 : i32
        %sub3A_1309 = arith.subi %div3A_1288, %sub3A_1308 : i32
        %select_n3A_1310 = arith.select %and3A_1307, %sub3A_1309, %div3A_1288 : i32
        %jit3A_1311 = arith.constant 2 : i32
        %eq3A_1312 = arith.constant 0 : i32
        %eq3A_1313 = arith.cmpi eq, %jit3A_1311, %eq3A_1312 : i32
        %jit3A_1314 = arith.constant 1 : i32
        %select_n3A_1315 = arith.select %eq3A_1313, %jit3A_1314, %jit3A_1311 : i32
        %rem3A_1316 = arith.remsi %add3A_1161, %select_n3A_1315 : i32
        %ne3A_1317 = arith.constant 0 : i32
        %ne3A_1318 = arith.cmpi ne, %rem3A_1316, %ne3A_1317 : i32
        %lt3A_1319 = arith.constant 0 : i32
        %lt3A_1320 = arith.cmpi slt, %rem3A_1316, %lt3A_1319 : i32
        %lt3A_1321 = arith.constant 0 : i32
        %lt3A_1322 = arith.cmpi slt, %select_n3A_1315, %lt3A_1321 : i32
        %ne3A_1323 = arith.xori %lt3A_1320, %lt3A_1322 : i1
        %and3A_1324 = arith.andi %ne3A_1323, %ne3A_1318 : i1
        %add3A_1325 = arith.addi %rem3A_1316, %select_n3A_1315 : i32
        %select_n3A_1326 = arith.select %and3A_1324, %add3A_1325, %rem3A_1316 : i32
        %mul3A_1327 = arith.constant 64 : i32
        %mul3A_1328 = arith.muli %select_n3A_1326, %mul3A_1327 : i32
        %dma_start3A_1329 = arith.constant 5 : i32
        %dma_start3A_1330 = arith.constant 5 : i32
        %dma_start3A_1331 = arith.constant 0 : i32
        %dma_start3A_1332 = arith.constant 0 : i32
        %dma_start3A_1333 = tpu.memref_slice %arg6[%dma_start3A_1329, %dma_start3A_1331, %dma_start3A_1332] : memref<10x64x128xf32, #tpu.memory_space<vmem>> -> memref<1x64x128xf32, #tpu.memory_space<vmem>>
        %dma_start3A_1334 = tpu.memref_squeeze %dma_start3A_1333 : memref<1x64x128xf32, #tpu.memory_space<vmem>> -> memref<64x128xf32, #tpu.memory_space<vmem>>
        %dma_start3A_1335 = tpu.memref_slice %arg5[%select_n3A_1310, %mul3A_1328] : memref<50x128xi32, #tpu.memory_space<vmem>> -> memref<1x64xi32, #tpu.memory_space<vmem>>
        %dma_start3A_1336 = tpu.memref_squeeze %dma_start3A_1335 : memref<1x64xi32, #tpu.memory_space<vmem>> -> memref<64xi32, #tpu.memory_space<vmem>>
        %dma_start3A_1337 = arith.constant 0 : i32
        %dma_start3A_1338 = arith.constant 0 : i32
        %dma_start3A_1339 = tpu.memref_slice %arg3[%dma_start3A_1337, %dma_start3A_1338] : memref<100000x128xf32, #tpu.memory_space<hbm>> -> memref<100000x128xf32, #tpu.memory_space<hbm>>
        %dma_start3A_1340 = tpu.memref_slice %arg7[%dma_start3A_1330] : memref<10x!tpu.dma_semaphore, #tpu.memory_space<semaphore_mem>> -> memref<1x!tpu.dma_semaphore, #tpu.memory_space<semaphore_mem>>
        %dma_start3A_1341 = tpu.memref_squeeze %dma_start3A_1340 : memref<1x!tpu.dma_semaphore, #tpu.memory_space<semaphore_mem>> -> memref<!tpu.dma_semaphore, #tpu.memory_space<semaphore_mem>>
        tpu.enqueue_indirect_dma source(%dma_start3A_1339 : memref<100000x128xf32, #tpu.memory_space<hbm>>) target(%dma_start3A_1334 : memref<64x128xf32, #tpu.memory_space<vmem>>) offsets(%dma_start3A_1336 : memref<64xi32, #tpu.memory_space<vmem>>) semaphore(%dma_start3A_1341 : memref<!tpu.dma_semaphore, #tpu.memory_space<semaphore_mem>>)
      } else {
      }
      %dma_wait3A_1167 = arith.constant 6 : i32
      %dma_wait3A_1168 = arith.constant 0 : i32
      %dma_wait3A_1169 = arith.constant 6 : i32
      %dma_wait3A_1170 = arith.constant 0 : i32
      %dma_wait3A_1171 = arith.constant 0 : i32
      %dma_wait3A_1172 = tpu.memref_slice %arg6[%dma_wait3A_1167, %dma_wait3A_1170, %dma_wait3A_1171] : memref<10x64x128xf32, #tpu.memory_space<vmem>> -> memref<1x64x128xf32, #tpu.memory_space<vmem>>
      %dma_wait3A_1173 = tpu.memref_squeeze %dma_wait3A_1172 : memref<1x64x128xf32, #tpu.memory_space<vmem>> -> memref<64x128xf32, #tpu.memory_space<vmem>>
      %dma_wait3A_1174 = arith.constant 0 : i32
      %dma_wait3A_1175 = arith.constant 0 : i32
      %dma_wait3A_1176 = tpu.memref_slice %arg4[%dma_wait3A_1168, %dma_wait3A_1174, %dma_wait3A_1175] : memref<50x4096x128xf32, #tpu.memory_space<hbm>> -> memref<1x64x128xf32, #tpu.memory_space<hbm>>
      %dma_wait3A_1177 = tpu.memref_squeeze %dma_wait3A_1176 : memref<1x64x128xf32, #tpu.memory_space<hbm>> -> memref<64x128xf32, #tpu.memory_space<hbm>>
      %dma_wait3A_1178 = tpu.memref_slice %arg8[%dma_wait3A_1169] : memref<10x!tpu.dma_semaphore, #tpu.memory_space<semaphore_mem>> -> memref<1x!tpu.dma_semaphore, #tpu.memory_space<semaphore_mem>>
      %dma_wait3A_1179 = tpu.memref_squeeze %dma_wait3A_1178 : memref<1x!tpu.dma_semaphore, #tpu.memory_space<semaphore_mem>> -> memref<!tpu.dma_semaphore, #tpu.memory_space<semaphore_mem>>
      %dma_wait3A_1180 = arith.constant 0 : i32
      %dma_wait3A_1181 = arith.constant 0 : i32
      %dma_wait3A_1182 = tpu.memref_slice %arg4[%dma_wait3A_1168, %dma_wait3A_1180, %dma_wait3A_1181] : memref<50x4096x128xf32, #tpu.memory_space<hbm>> -> memref<1x64x128xf32, #tpu.memory_space<hbm>>
      %dma_wait3A_1183 = tpu.memref_squeeze %dma_wait3A_1182 : memref<1x64x128xf32, #tpu.memory_space<hbm>> -> memref<64x128xf32, #tpu.memory_space<hbm>>
      %dma_wait3A_1184 = arith.constant 0 : i32
      %dma_wait3A_1185 = arith.constant 0 : i32
      %dma_wait3A_1186 = tpu.memref_slice %arg6[%dma_wait3A_1167, %dma_wait3A_1184, %dma_wait3A_1185] : memref<10x64x128xf32, #tpu.memory_space<vmem>> -> memref<1x64x128xf32, #tpu.memory_space<vmem>>
      %dma_wait3A_1187 = tpu.memref_squeeze %dma_wait3A_1186 : memref<1x64x128xf32, #tpu.memory_space<vmem>> -> memref<64x128xf32, #tpu.memory_space<vmem>>
      tpu.wait_dma2 semaphore(%dma_wait3A_1179 : memref<!tpu.dma_semaphore, #tpu.memory_space<semaphore_mem>>) src(%dma_wait3A_1187 : memref<64x128xf32, #tpu.memory_space<vmem>>) dst(%dma_wait3A_1183 : memref<64x128xf32, #tpu.memory_space<hbm>>)
      %add3A_1188 = arith.constant 10 : i32
      %add3A_1189 = arith.addi %mul3A_159, %add3A_1188 : i32
      %add3A_1190 = arith.constant 6 : i32
      %add3A_1191 = arith.addi %add3A_1189, %add3A_1190 : i32
      %lt3A_1192 = arith.constant 100 : i32
      %lt3A_1193 = arith.cmpi slt, %add3A_1191, %lt3A_1192 : i32
      %convert_element_type3A_1194 = arith.extui %lt3A_1193 : i1 to i32
      %cond3A_1195 = arith.constant 0 : i32
      %cond3A_1196 = arith.cmpi ne, %convert_element_type3A_1194, %cond3A_1195 : i32
      scf.if %cond3A_1196 {
        %jit3A_1287 = arith.constant 2 : i32
        %div3A_1288 = arith.divsi %add3A_1191, %jit3A_1287 : i32
        %sign3A_1289 = arith.constant 0 : i32
        %sign3A_1290 = arith.cmpi sgt, %add3A_1191, %sign3A_1289 : i32
        %sign3A_1291 = arith.extui %sign3A_1290 : i1 to i32
        %sign3A_1292 = arith.constant 0 : i32
        %sign3A_1293 = arith.cmpi slt, %add3A_1191, %sign3A_1292 : i32
        %sign3A_1294 = arith.extui %sign3A_1293 : i1 to i32
        %sign3A_1295 = arith.subi %sign3A_1291, %sign3A_1294 : i32
        %sign3A_1296 = arith.constant 0 : i32
        %sign3A_1297 = arith.cmpi sgt, %jit3A_1287, %sign3A_1296 : i32
        %sign3A_1298 = arith.extui %sign3A_1297 : i1 to i32
        %sign3A_1299 = arith.constant 0 : i32
        %sign3A_1300 = arith.cmpi slt, %jit3A_1287, %sign3A_1299 : i32
        %sign3A_1301 = arith.extui %sign3A_1300 : i1 to i32
        %sign3A_1302 = arith.subi %sign3A_1298, %sign3A_1301 : i32
        %ne3A_1303 = arith.cmpi ne, %sign3A_1295, %sign3A_1302 : i32
        %rem3A_1304 = arith.remsi %add3A_1191, %jit3A_1287 : i32
        %ne3A_1305 = arith.constant 0 : i32
        %ne3A_1306 = arith.cmpi ne, %rem3A_1304, %ne3A_1305 : i32
        %and3A_1307 = arith.andi %ne3A_1303, %ne3A_1306 : i1
        %sub3A_1308 = arith.constant 1 : i32
        %sub3A_1309 = arith.subi %div3A_1288, %sub3A_1308 : i32
        %select_n3A_1310 = arith.select %and3A_1307, %sub3A_1309, %div3A_1288 : i32
        %jit3A_1311 = arith.constant 2 : i32
        %eq3A_1312 = arith.constant 0 : i32
        %eq3A_1313 = arith.cmpi eq, %jit3A_1311, %eq3A_1312 : i32
        %jit3A_1314 = arith.constant 1 : i32
        %select_n3A_1315 = arith.select %eq3A_1313, %jit3A_1314, %jit3A_1311 : i32
        %rem3A_1316 = arith.remsi %add3A_1191, %select_n3A_1315 : i32
        %ne3A_1317 = arith.constant 0 : i32
        %ne3A_1318 = arith.cmpi ne, %rem3A_1316, %ne3A_1317 : i32
        %lt3A_1319 = arith.constant 0 : i32
        %lt3A_1320 = arith.cmpi slt, %rem3A_1316, %lt3A_1319 : i32
        %lt3A_1321 = arith.constant 0 : i32
        %lt3A_1322 = arith.cmpi slt, %select_n3A_1315, %lt3A_1321 : i32
        %ne3A_1323 = arith.xori %lt3A_1320, %lt3A_1322 : i1
        %and3A_1324 = arith.andi %ne3A_1323, %ne3A_1318 : i1
        %add3A_1325 = arith.addi %rem3A_1316, %select_n3A_1315 : i32
        %select_n3A_1326 = arith.select %and3A_1324, %add3A_1325, %rem3A_1316 : i32
        %mul3A_1327 = arith.constant 64 : i32
        %mul3A_1328 = arith.muli %select_n3A_1326, %mul3A_1327 : i32
        %dma_start3A_1329 = arith.constant 6 : i32
        %dma_start3A_1330 = arith.constant 6 : i32
        %dma_start3A_1331 = arith.constant 0 : i32
        %dma_start3A_1332 = arith.constant 0 : i32
        %dma_start3A_1333 = tpu.memref_slice %arg6[%dma_start3A_1329, %dma_start3A_1331, %dma_start3A_1332] : memref<10x64x128xf32, #tpu.memory_space<vmem>> -> memref<1x64x128xf32, #tpu.memory_space<vmem>>
        %dma_start3A_1334 = tpu.memref_squeeze %dma_start3A_1333 : memref<1x64x128xf32, #tpu.memory_space<vmem>> -> memref<64x128xf32, #tpu.memory_space<vmem>>
        %dma_start3A_1335 = tpu.memref_slice %arg5[%select_n3A_1310, %mul3A_1328] : memref<50x128xi32, #tpu.memory_space<vmem>> -> memref<1x64xi32, #tpu.memory_space<vmem>>
        %dma_start3A_1336 = tpu.memref_squeeze %dma_start3A_1335 : memref<1x64xi32, #tpu.memory_space<vmem>> -> memref<64xi32, #tpu.memory_space<vmem>>
        %dma_start3A_1337 = arith.constant 0 : i32
        %dma_start3A_1338 = arith.constant 0 : i32
        %dma_start3A_1339 = tpu.memref_slice %arg3[%dma_start3A_1337, %dma_start3A_1338] : memref<100000x128xf32, #tpu.memory_space<hbm>> -> memref<100000x128xf32, #tpu.memory_space<hbm>>
        %dma_start3A_1340 = tpu.memref_slice %arg7[%dma_start3A_1330] : memref<10x!tpu.dma_semaphore, #tpu.memory_space<semaphore_mem>> -> memref<1x!tpu.dma_semaphore, #tpu.memory_space<semaphore_mem>>
        %dma_start3A_1341 = tpu.memref_squeeze %dma_start3A_1340 : memref<1x!tpu.dma_semaphore, #tpu.memory_space<semaphore_mem>> -> memref<!tpu.dma_semaphore, #tpu.memory_space<semaphore_mem>>
        tpu.enqueue_indirect_dma source(%dma_start3A_1339 : memref<100000x128xf32, #tpu.memory_space<hbm>>) target(%dma_start3A_1334 : memref<64x128xf32, #tpu.memory_space<vmem>>) offsets(%dma_start3A_1336 : memref<64xi32, #tpu.memory_space<vmem>>) semaphore(%dma_start3A_1341 : memref<!tpu.dma_semaphore, #tpu.memory_space<semaphore_mem>>)
      } else {
      }
      %dma_wait3A_1197 = arith.constant 7 : i32
      %dma_wait3A_1198 = arith.constant 0 : i32
      %dma_wait3A_1199 = arith.constant 7 : i32
      %dma_wait3A_1200 = arith.constant 0 : i32
      %dma_wait3A_1201 = arith.constant 0 : i32
      %dma_wait3A_1202 = tpu.memref_slice %arg6[%dma_wait3A_1197, %dma_wait3A_1200, %dma_wait3A_1201] : memref<10x64x128xf32, #tpu.memory_space<vmem>> -> memref<1x64x128xf32, #tpu.memory_space<vmem>>
      %dma_wait3A_1203 = tpu.memref_squeeze %dma_wait3A_1202 : memref<1x64x128xf32, #tpu.memory_space<vmem>> -> memref<64x128xf32, #tpu.memory_space<vmem>>
      %dma_wait3A_1204 = arith.constant 0 : i32
      %dma_wait3A_1205 = arith.constant 0 : i32
      %dma_wait3A_1206 = tpu.memref_slice %arg4[%dma_wait3A_1198, %dma_wait3A_1204, %dma_wait3A_1205] : memref<50x4096x128xf32, #tpu.memory_space<hbm>> -> memref<1x64x128xf32, #tpu.memory_space<hbm>>
      %dma_wait3A_1207 = tpu.memref_squeeze %dma_wait3A_1206 : memref<1x64x128xf32, #tpu.memory_space<hbm>> -> memref<64x128xf32, #tpu.memory_space<hbm>>
      %dma_wait3A_1208 = tpu.memref_slice %arg8[%dma_wait3A_1199] : memref<10x!tpu.dma_semaphore, #tpu.memory_space<semaphore_mem>> -> memref<1x!tpu.dma_semaphore, #tpu.memory_space<semaphore_mem>>
      %dma_wait3A_1209 = tpu.memref_squeeze %dma_wait3A_1208 : memref<1x!tpu.dma_semaphore, #tpu.memory_space<semaphore_mem>> -> memref<!tpu.dma_semaphore, #tpu.memory_space<semaphore_mem>>
      %dma_wait3A_1210 = arith.constant 0 : i32
      %dma_wait3A_1211 = arith.constant 0 : i32
      %dma_wait3A_1212 = tpu.memref_slice %arg4[%dma_wait3A_1198, %dma_wait3A_1210, %dma_wait3A_1211] : memref<50x4096x128xf32, #tpu.memory_space<hbm>> -> memref<1x64x128xf32, #tpu.memory_space<hbm>>
      %dma_wait3A_1213 = tpu.memref_squeeze %dma_wait3A_1212 : memref<1x64x128xf32, #tpu.memory_space<hbm>> -> memref<64x128xf32, #tpu.memory_space<hbm>>
      %dma_wait3A_1214 = arith.constant 0 : i32
      %dma_wait3A_1215 = arith.constant 0 : i32
      %dma_wait3A_1216 = tpu.memref_slice %arg6[%dma_wait3A_1197, %dma_wait3A_1214, %dma_wait3A_1215] : memref<10x64x128xf32, #tpu.memory_space<vmem>> -> memref<1x64x128xf32, #tpu.memory_space<vmem>>
      %dma_wait3A_1217 = tpu.memref_squeeze %dma_wait3A_1216 : memref<1x64x128xf32, #tpu.memory_space<vmem>> -> memref<64x128xf32, #tpu.memory_space<vmem>>
      tpu.wait_dma2 semaphore(%dma_wait3A_1209 : memref<!tpu.dma_semaphore, #tpu.memory_space<semaphore_mem>>) src(%dma_wait3A_1217 : memref<64x128xf32, #tpu.memory_space<vmem>>) dst(%dma_wait3A_1213 : memref<64x128xf32, #tpu.memory_space<hbm>>)
      %add3A_1218 = arith.constant 10 : i32
      %add3A_1219 = arith.addi %mul3A_159, %add3A_1218 : i32
      %add3A_1220 = arith.constant 7 : i32
      %add3A_1221 = arith.addi %add3A_1219, %add3A_1220 : i32
      %lt3A_1222 = arith.constant 100 : i32
      %lt3A_1223 = arith.cmpi slt, %add3A_1221, %lt3A_1222 : i32
      %convert_element_type3A_1224 = arith.extui %lt3A_1223 : i1 to i32
      %cond3A_1225 = arith.constant 0 : i32
      %cond3A_1226 = arith.cmpi ne, %convert_element_type3A_1224, %cond3A_1225 : i32
      scf.if %cond3A_1226 {
        %jit3A_1287 = arith.constant 2 : i32
        %div3A_1288 = arith.divsi %add3A_1221, %jit3A_1287 : i32
        %sign3A_1289 = arith.constant 0 : i32
        %sign3A_1290 = arith.cmpi sgt, %add3A_1221, %sign3A_1289 : i32
        %sign3A_1291 = arith.extui %sign3A_1290 : i1 to i32
        %sign3A_1292 = arith.constant 0 : i32
        %sign3A_1293 = arith.cmpi slt, %add3A_1221, %sign3A_1292 : i32
        %sign3A_1294 = arith.extui %sign3A_1293 : i1 to i32
        %sign3A_1295 = arith.subi %sign3A_1291, %sign3A_1294 : i32
        %sign3A_1296 = arith.constant 0 : i32
        %sign3A_1297 = arith.cmpi sgt, %jit3A_1287, %sign3A_1296 : i32
        %sign3A_1298 = arith.extui %sign3A_1297 : i1 to i32
        %sign3A_1299 = arith.constant 0 : i32
        %sign3A_1300 = arith.cmpi slt, %jit3A_1287, %sign3A_1299 : i32
        %sign3A_1301 = arith.extui %sign3A_1300 : i1 to i32
        %sign3A_1302 = arith.subi %sign3A_1298, %sign3A_1301 : i32
        %ne3A_1303 = arith.cmpi ne, %sign3A_1295, %sign3A_1302 : i32
        %rem3A_1304 = arith.remsi %add3A_1221, %jit3A_1287 : i32
        %ne3A_1305 = arith.constant 0 : i32
        %ne3A_1306 = arith.cmpi ne, %rem3A_1304, %ne3A_1305 : i32
        %and3A_1307 = arith.andi %ne3A_1303, %ne3A_1306 : i1
        %sub3A_1308 = arith.constant 1 : i32
        %sub3A_1309 = arith.subi %div3A_1288, %sub3A_1308 : i32
        %select_n3A_1310 = arith.select %and3A_1307, %sub3A_1309, %div3A_1288 : i32
        %jit3A_1311 = arith.constant 2 : i32
        %eq3A_1312 = arith.constant 0 : i32
        %eq3A_1313 = arith.cmpi eq, %jit3A_1311, %eq3A_1312 : i32
        %jit3A_1314 = arith.constant 1 : i32
        %select_n3A_1315 = arith.select %eq3A_1313, %jit3A_1314, %jit3A_1311 : i32
        %rem3A_1316 = arith.remsi %add3A_1221, %select_n3A_1315 : i32
        %ne3A_1317 = arith.constant 0 : i32
        %ne3A_1318 = arith.cmpi ne, %rem3A_1316, %ne3A_1317 : i32
        %lt3A_1319 = arith.constant 0 : i32
        %lt3A_1320 = arith.cmpi slt, %rem3A_1316, %lt3A_1319 : i32
        %lt3A_1321 = arith.constant 0 : i32
        %lt3A_1322 = arith.cmpi slt, %select_n3A_1315, %lt3A_1321 : i32
        %ne3A_1323 = arith.xori %lt3A_1320, %lt3A_1322 : i1
        %and3A_1324 = arith.andi %ne3A_1323, %ne3A_1318 : i1
        %add3A_1325 = arith.addi %rem3A_1316, %select_n3A_1315 : i32
        %select_n3A_1326 = arith.select %and3A_1324, %add3A_1325, %rem3A_1316 : i32
        %mul3A_1327 = arith.constant 64 : i32
        %mul3A_1328 = arith.muli %select_n3A_1326, %mul3A_1327 : i32
        %dma_start3A_1329 = arith.constant 7 : i32
        %dma_start3A_1330 = arith.constant 7 : i32
        %dma_start3A_1331 = arith.constant 0 : i32
        %dma_start3A_1332 = arith.constant 0 : i32
        %dma_start3A_1333 = tpu.memref_slice %arg6[%dma_start3A_1329, %dma_start3A_1331, %dma_start3A_1332] : memref<10x64x128xf32, #tpu.memory_space<vmem>> -> memref<1x64x128xf32, #tpu.memory_space<vmem>>
        %dma_start3A_1334 = tpu.memref_squeeze %dma_start3A_1333 : memref<1x64x128xf32, #tpu.memory_space<vmem>> -> memref<64x128xf32, #tpu.memory_space<vmem>>
        %dma_start3A_1335 = tpu.memref_slice %arg5[%select_n3A_1310, %mul3A_1328] : memref<50x128xi32, #tpu.memory_space<vmem>> -> memref<1x64xi32, #tpu.memory_space<vmem>>
        %dma_start3A_1336 = tpu.memref_squeeze %dma_start3A_1335 : memref<1x64xi32, #tpu.memory_space<vmem>> -> memref<64xi32, #tpu.memory_space<vmem>>
        %dma_start3A_1337 = arith.constant 0 : i32
        %dma_start3A_1338 = arith.constant 0 : i32
        %dma_start3A_1339 = tpu.memref_slice %arg3[%dma_start3A_1337, %dma_start3A_1338] : memref<100000x128xf32, #tpu.memory_space<hbm>> -> memref<100000x128xf32, #tpu.memory_space<hbm>>
        %dma_start3A_1340 = tpu.memref_slice %arg7[%dma_start3A_1330] : memref<10x!tpu.dma_semaphore, #tpu.memory_space<semaphore_mem>> -> memref<1x!tpu.dma_semaphore, #tpu.memory_space<semaphore_mem>>
        %dma_start3A_1341 = tpu.memref_squeeze %dma_start3A_1340 : memref<1x!tpu.dma_semaphore, #tpu.memory_space<semaphore_mem>> -> memref<!tpu.dma_semaphore, #tpu.memory_space<semaphore_mem>>
        tpu.enqueue_indirect_dma source(%dma_start3A_1339 : memref<100000x128xf32, #tpu.memory_space<hbm>>) target(%dma_start3A_1334 : memref<64x128xf32, #tpu.memory_space<vmem>>) offsets(%dma_start3A_1336 : memref<64xi32, #tpu.memory_space<vmem>>) semaphore(%dma_start3A_1341 : memref<!tpu.dma_semaphore, #tpu.memory_space<semaphore_mem>>)
      } else {
      }
      %dma_wait3A_1227 = arith.constant 8 : i32
      %dma_wait3A_1228 = arith.constant 0 : i32
      %dma_wait3A_1229 = arith.constant 8 : i32
      %dma_wait3A_1230 = arith.constant 0 : i32
      %dma_wait3A_1231 = arith.constant 0 : i32
      %dma_wait3A_1232 = tpu.memref_slice %arg6[%dma_wait3A_1227, %dma_wait3A_1230, %dma_wait3A_1231] : memref<10x64x128xf32, #tpu.memory_space<vmem>> -> memref<1x64x128xf32, #tpu.memory_space<vmem>>
      %dma_wait3A_1233 = tpu.memref_squeeze %dma_wait3A_1232 : memref<1x64x128xf32, #tpu.memory_space<vmem>> -> memref<64x128xf32, #tpu.memory_space<vmem>>
      %dma_wait3A_1234 = arith.constant 0 : i32
      %dma_wait3A_1235 = arith.constant 0 : i32
      %dma_wait3A_1236 = tpu.memref_slice %arg4[%dma_wait3A_1228, %dma_wait3A_1234, %dma_wait3A_1235] : memref<50x4096x128xf32, #tpu.memory_space<hbm>> -> memref<1x64x128xf32, #tpu.memory_space<hbm>>
      %dma_wait3A_1237 = tpu.memref_squeeze %dma_wait3A_1236 : memref<1x64x128xf32, #tpu.memory_space<hbm>> -> memref<64x128xf32, #tpu.memory_space<hbm>>
      %dma_wait3A_1238 = tpu.memref_slice %arg8[%dma_wait3A_1229] : memref<10x!tpu.dma_semaphore, #tpu.memory_space<semaphore_mem>> -> memref<1x!tpu.dma_semaphore, #tpu.memory_space<semaphore_mem>>
      %dma_wait3A_1239 = tpu.memref_squeeze %dma_wait3A_1238 : memref<1x!tpu.dma_semaphore, #tpu.memory_space<semaphore_mem>> -> memref<!tpu.dma_semaphore, #tpu.memory_space<semaphore_mem>>
      %dma_wait3A_1240 = arith.constant 0 : i32
      %dma_wait3A_1241 = arith.constant 0 : i32
      %dma_wait3A_1242 = tpu.memref_slice %arg4[%dma_wait3A_1228, %dma_wait3A_1240, %dma_wait3A_1241] : memref<50x4096x128xf32, #tpu.memory_space<hbm>> -> memref<1x64x128xf32, #tpu.memory_space<hbm>>
      %dma_wait3A_1243 = tpu.memref_squeeze %dma_wait3A_1242 : memref<1x64x128xf32, #tpu.memory_space<hbm>> -> memref<64x128xf32, #tpu.memory_space<hbm>>
      %dma_wait3A_1244 = arith.constant 0 : i32
      %dma_wait3A_1245 = arith.constant 0 : i32
      %dma_wait3A_1246 = tpu.memref_slice %arg6[%dma_wait3A_1227, %dma_wait3A_1244, %dma_wait3A_1245] : memref<10x64x128xf32, #tpu.memory_space<vmem>> -> memref<1x64x128xf32, #tpu.memory_space<vmem>>
      %dma_wait3A_1247 = tpu.memref_squeeze %dma_wait3A_1246 : memref<1x64x128xf32, #tpu.memory_space<vmem>> -> memref<64x128xf32, #tpu.memory_space<vmem>>
      tpu.wait_dma2 semaphore(%dma_wait3A_1239 : memref<!tpu.dma_semaphore, #tpu.memory_space<semaphore_mem>>) src(%dma_wait3A_1247 : memref<64x128xf32, #tpu.memory_space<vmem>>) dst(%dma_wait3A_1243 : memref<64x128xf32, #tpu.memory_space<hbm>>)
      %add3A_1248 = arith.constant 10 : i32
      %add3A_1249 = arith.addi %mul3A_159, %add3A_1248 : i32
      %add3A_1250 = arith.constant 8 : i32
      %add3A_1251 = arith.addi %add3A_1249, %add3A_1250 : i32
      %lt3A_1252 = arith.constant 100 : i32
      %lt3A_1253 = arith.cmpi slt, %add3A_1251, %lt3A_1252 : i32
      %convert_element_type3A_1254 = arith.extui %lt3A_1253 : i1 to i32
      %cond3A_1255 = arith.constant 0 : i32
      %cond3A_1256 = arith.cmpi ne, %convert_element_type3A_1254, %cond3A_1255 : i32
      scf.if %cond3A_1256 {
        %jit3A_1287 = arith.constant 2 : i32
        %div3A_1288 = arith.divsi %add3A_1251, %jit3A_1287 : i32
        %sign3A_1289 = arith.constant 0 : i32
        %sign3A_1290 = arith.cmpi sgt, %add3A_1251, %sign3A_1289 : i32
        %sign3A_1291 = arith.extui %sign3A_1290 : i1 to i32
        %sign3A_1292 = arith.constant 0 : i32
        %sign3A_1293 = arith.cmpi slt, %add3A_1251, %sign3A_1292 : i32
        %sign3A_1294 = arith.extui %sign3A_1293 : i1 to i32
        %sign3A_1295 = arith.subi %sign3A_1291, %sign3A_1294 : i32
        %sign3A_1296 = arith.constant 0 : i32
        %sign3A_1297 = arith.cmpi sgt, %jit3A_1287, %sign3A_1296 : i32
        %sign3A_1298 = arith.extui %sign3A_1297 : i1 to i32
        %sign3A_1299 = arith.constant 0 : i32
        %sign3A_1300 = arith.cmpi slt, %jit3A_1287, %sign3A_1299 : i32
        %sign3A_1301 = arith.extui %sign3A_1300 : i1 to i32
        %sign3A_1302 = arith.subi %sign3A_1298, %sign3A_1301 : i32
        %ne3A_1303 = arith.cmpi ne, %sign3A_1295, %sign3A_1302 : i32
        %rem3A_1304 = arith.remsi %add3A_1251, %jit3A_1287 : i32
        %ne3A_1305 = arith.constant 0 : i32
        %ne3A_1306 = arith.cmpi ne, %rem3A_1304, %ne3A_1305 : i32
        %and3A_1307 = arith.andi %ne3A_1303, %ne3A_1306 : i1
        %sub3A_1308 = arith.constant 1 : i32
        %sub3A_1309 = arith.subi %div3A_1288, %sub3A_1308 : i32
        %select_n3A_1310 = arith.select %and3A_1307, %sub3A_1309, %div3A_1288 : i32
        %jit3A_1311 = arith.constant 2 : i32
        %eq3A_1312 = arith.constant 0 : i32
        %eq3A_1313 = arith.cmpi eq, %jit3A_1311, %eq3A_1312 : i32
        %jit3A_1314 = arith.constant 1 : i32
        %select_n3A_1315 = arith.select %eq3A_1313, %jit3A_1314, %jit3A_1311 : i32
        %rem3A_1316 = arith.remsi %add3A_1251, %select_n3A_1315 : i32
        %ne3A_1317 = arith.constant 0 : i32
        %ne3A_1318 = arith.cmpi ne, %rem3A_1316, %ne3A_1317 : i32
        %lt3A_1319 = arith.constant 0 : i32
        %lt3A_1320 = arith.cmpi slt, %rem3A_1316, %lt3A_1319 : i32
        %lt3A_1321 = arith.constant 0 : i32
        %lt3A_1322 = arith.cmpi slt, %select_n3A_1315, %lt3A_1321 : i32
        %ne3A_1323 = arith.xori %lt3A_1320, %lt3A_1322 : i1
        %and3A_1324 = arith.andi %ne3A_1323, %ne3A_1318 : i1
        %add3A_1325 = arith.addi %rem3A_1316, %select_n3A_1315 : i32
        %select_n3A_1326 = arith.select %and3A_1324, %add3A_1325, %rem3A_1316 : i32
        %mul3A_1327 = arith.constant 64 : i32
        %mul3A_1328 = arith.muli %select_n3A_1326, %mul3A_1327 : i32
        %dma_start3A_1329 = arith.constant 8 : i32
        %dma_start3A_1330 = arith.constant 8 : i32
        %dma_start3A_1331 = arith.constant 0 : i32
        %dma_start3A_1332 = arith.constant 0 : i32
        %dma_start3A_1333 = tpu.memref_slice %arg6[%dma_start3A_1329, %dma_start3A_1331, %dma_start3A_1332] : memref<10x64x128xf32, #tpu.memory_space<vmem>> -> memref<1x64x128xf32, #tpu.memory_space<vmem>>
        %dma_start3A_1334 = tpu.memref_squeeze %dma_start3A_1333 : memref<1x64x128xf32, #tpu.memory_space<vmem>> -> memref<64x128xf32, #tpu.memory_space<vmem>>
        %dma_start3A_1335 = tpu.memref_slice %arg5[%select_n3A_1310, %mul3A_1328] : memref<50x128xi32, #tpu.memory_space<vmem>> -> memref<1x64xi32, #tpu.memory_space<vmem>>
        %dma_start3A_1336 = tpu.memref_squeeze %dma_start3A_1335 : memref<1x64xi32, #tpu.memory_space<vmem>> -> memref<64xi32, #tpu.memory_space<vmem>>
        %dma_start3A_1337 = arith.constant 0 : i32
        %dma_start3A_1338 = arith.constant 0 : i32
        %dma_start3A_1339 = tpu.memref_slice %arg3[%dma_start3A_1337, %dma_start3A_1338] : memref<100000x128xf32, #tpu.memory_space<hbm>> -> memref<100000x128xf32, #tpu.memory_space<hbm>>
        %dma_start3A_1340 = tpu.memref_slice %arg7[%dma_start3A_1330] : memref<10x!tpu.dma_semaphore, #tpu.memory_space<semaphore_mem>> -> memref<1x!tpu.dma_semaphore, #tpu.memory_space<semaphore_mem>>
        %dma_start3A_1341 = tpu.memref_squeeze %dma_start3A_1340 : memref<1x!tpu.dma_semaphore, #tpu.memory_space<semaphore_mem>> -> memref<!tpu.dma_semaphore, #tpu.memory_space<semaphore_mem>>
        tpu.enqueue_indirect_dma source(%dma_start3A_1339 : memref<100000x128xf32, #tpu.memory_space<hbm>>) target(%dma_start3A_1334 : memref<64x128xf32, #tpu.memory_space<vmem>>) offsets(%dma_start3A_1336 : memref<64xi32, #tpu.memory_space<vmem>>) semaphore(%dma_start3A_1341 : memref<!tpu.dma_semaphore, #tpu.memory_space<semaphore_mem>>)
      } else {
      }
      %dma_wait3A_1257 = arith.constant 9 : i32
      %dma_wait3A_1258 = arith.constant 0 : i32
      %dma_wait3A_1259 = arith.constant 9 : i32
      %dma_wait3A_1260 = arith.constant 0 : i32
      %dma_wait3A_1261 = arith.constant 0 : i32
      %dma_wait3A_1262 = tpu.memref_slice %arg6[%dma_wait3A_1257, %dma_wait3A_1260, %dma_wait3A_1261] : memref<10x64x128xf32, #tpu.memory_space<vmem>> -> memref<1x64x128xf32, #tpu.memory_space<vmem>>
      %dma_wait3A_1263 = tpu.memref_squeeze %dma_wait3A_1262 : memref<1x64x128xf32, #tpu.memory_space<vmem>> -> memref<64x128xf32, #tpu.memory_space<vmem>>
      %dma_wait3A_1264 = arith.constant 0 : i32
      %dma_wait3A_1265 = arith.constant 0 : i32
      %dma_wait3A_1266 = tpu.memref_slice %arg4[%dma_wait3A_1258, %dma_wait3A_1264, %dma_wait3A_1265] : memref<50x4096x128xf32, #tpu.memory_space<hbm>> -> memref<1x64x128xf32, #tpu.memory_space<hbm>>
      %dma_wait3A_1267 = tpu.memref_squeeze %dma_wait3A_1266 : memref<1x64x128xf32, #tpu.memory_space<hbm>> -> memref<64x128xf32, #tpu.memory_space<hbm>>
      %dma_wait3A_1268 = tpu.memref_slice %arg8[%dma_wait3A_1259] : memref<10x!tpu.dma_semaphore, #tpu.memory_space<semaphore_mem>> -> memref<1x!tpu.dma_semaphore, #tpu.memory_space<semaphore_mem>>
      %dma_wait3A_1269 = tpu.memref_squeeze %dma_wait3A_1268 : memref<1x!tpu.dma_semaphore, #tpu.memory_space<semaphore_mem>> -> memref<!tpu.dma_semaphore, #tpu.memory_space<semaphore_mem>>
      %dma_wait3A_1270 = arith.constant 0 : i32
      %dma_wait3A_1271 = arith.constant 0 : i32
      %dma_wait3A_1272 = tpu.memref_slice %arg4[%dma_wait3A_1258, %dma_wait3A_1270, %dma_wait3A_1271] : memref<50x4096x128xf32, #tpu.memory_space<hbm>> -> memref<1x64x128xf32, #tpu.memory_space<hbm>>
      %dma_wait3A_1273 = tpu.memref_squeeze %dma_wait3A_1272 : memref<1x64x128xf32, #tpu.memory_space<hbm>> -> memref<64x128xf32, #tpu.memory_space<hbm>>
      %dma_wait3A_1274 = arith.constant 0 : i32
      %dma_wait3A_1275 = arith.constant 0 : i32
      %dma_wait3A_1276 = tpu.memref_slice %arg6[%dma_wait3A_1257, %dma_wait3A_1274, %dma_wait3A_1275] : memref<10x64x128xf32, #tpu.memory_space<vmem>> -> memref<1x64x128xf32, #tpu.memory_space<vmem>>
      %dma_wait3A_1277 = tpu.memref_squeeze %dma_wait3A_1276 : memref<1x64x128xf32, #tpu.memory_space<vmem>> -> memref<64x128xf32, #tpu.memory_space<vmem>>
      tpu.wait_dma2 semaphore(%dma_wait3A_1269 : memref<!tpu.dma_semaphore, #tpu.memory_space<semaphore_mem>>) src(%dma_wait3A_1277 : memref<64x128xf32, #tpu.memory_space<vmem>>) dst(%dma_wait3A_1273 : memref<64x128xf32, #tpu.memory_space<hbm>>)
      %add3A_1278 = arith.constant 10 : i32
      %add3A_1279 = arith.addi %mul3A_159, %add3A_1278 : i32
      %add3A_1280 = arith.constant 9 : i32
      %add3A_1281 = arith.addi %add3A_1279, %add3A_1280 : i32
      %lt3A_1282 = arith.constant 100 : i32
      %lt3A_1283 = arith.cmpi slt, %add3A_1281, %lt3A_1282 : i32
      %convert_element_type3A_1284 = arith.extui %lt3A_1283 : i1 to i32
      %cond3A_1285 = arith.constant 0 : i32
      %cond3A_1286 = arith.cmpi ne, %convert_element_type3A_1284, %cond3A_1285 : i32
      scf.if %cond3A_1286 {
        %jit3A_1287 = arith.constant 2 : i32
        %div3A_1288 = arith.divsi %add3A_1281, %jit3A_1287 : i32
        %sign3A_1289 = arith.constant 0 : i32
        %sign3A_1290 = arith.cmpi sgt, %add3A_1281, %sign3A_1289 : i32
        %sign3A_1291 = arith.extui %sign3A_1290 : i1 to i32
        %sign3A_1292 = arith.constant 0 : i32
        %sign3A_1293 = arith.cmpi slt, %add3A_1281, %sign3A_1292 : i32
        %sign3A_1294 = arith.extui %sign3A_1293 : i1 to i32
        %sign3A_1295 = arith.subi %sign3A_1291, %sign3A_1294 : i32
        %sign3A_1296 = arith.constant 0 : i32
        %sign3A_1297 = arith.cmpi sgt, %jit3A_1287, %sign3A_1296 : i32
        %sign3A_1298 = arith.extui %sign3A_1297 : i1 to i32
        %sign3A_1299 = arith.constant 0 : i32
        %sign3A_1300 = arith.cmpi slt, %jit3A_1287, %sign3A_1299 : i32
        %sign3A_1301 = arith.extui %sign3A_1300 : i1 to i32
        %sign3A_1302 = arith.subi %sign3A_1298, %sign3A_1301 : i32
        %ne3A_1303 = arith.cmpi ne, %sign3A_1295, %sign3A_1302 : i32
        %rem3A_1304 = arith.remsi %add3A_1281, %jit3A_1287 : i32
        %ne3A_1305 = arith.constant 0 : i32
        %ne3A_1306 = arith.cmpi ne, %rem3A_1304, %ne3A_1305 : i32
        %and3A_1307 = arith.andi %ne3A_1303, %ne3A_1306 : i1
        %sub3A_1308 = arith.constant 1 : i32
        %sub3A_1309 = arith.subi %div3A_1288, %sub3A_1308 : i32
        %select_n3A_1310 = arith.select %and3A_1307, %sub3A_1309, %div3A_1288 : i32
        %jit3A_1311 = arith.constant 2 : i32
        %eq3A_1312 = arith.constant 0 : i32
        %eq3A_1313 = arith.cmpi eq, %jit3A_1311, %eq3A_1312 : i32
        %jit3A_1314 = arith.constant 1 : i32
        %select_n3A_1315 = arith.select %eq3A_1313, %jit3A_1314, %jit3A_1311 : i32
        %rem3A_1316 = arith.remsi %add3A_1281, %select_n3A_1315 : i32
        %ne3A_1317 = arith.constant 0 : i32
        %ne3A_1318 = arith.cmpi ne, %rem3A_1316, %ne3A_1317 : i32
        %lt3A_1319 = arith.constant 0 : i32
        %lt3A_1320 = arith.cmpi slt, %rem3A_1316, %lt3A_1319 : i32
        %lt3A_1321 = arith.constant 0 : i32
        %lt3A_1322 = arith.cmpi slt, %select_n3A_1315, %lt3A_1321 : i32
        %ne3A_1323 = arith.xori %lt3A_1320, %lt3A_1322 : i1
        %and3A_1324 = arith.andi %ne3A_1323, %ne3A_1318 : i1
        %add3A_1325 = arith.addi %rem3A_1316, %select_n3A_1315 : i32
        %select_n3A_1326 = arith.select %and3A_1324, %add3A_1325, %rem3A_1316 : i32
        %mul3A_1327 = arith.constant 64 : i32
        %mul3A_1328 = arith.muli %select_n3A_1326, %mul3A_1327 : i32
        %dma_start3A_1329 = arith.constant 9 : i32
        %dma_start3A_1330 = arith.constant 9 : i32
        %dma_start3A_1331 = arith.constant 0 : i32
        %dma_start3A_1332 = arith.constant 0 : i32
        %dma_start3A_1333 = tpu.memref_slice %arg6[%dma_start3A_1329, %dma_start3A_1331, %dma_start3A_1332] : memref<10x64x128xf32, #tpu.memory_space<vmem>> -> memref<1x64x128xf32, #tpu.memory_space<vmem>>
        %dma_start3A_1334 = tpu.memref_squeeze %dma_start3A_1333 : memref<1x64x128xf32, #tpu.memory_space<vmem>> -> memref<64x128xf32, #tpu.memory_space<vmem>>
        %dma_start3A_1335 = tpu.memref_slice %arg5[%select_n3A_1310, %mul3A_1328] : memref<50x128xi32, #tpu.memory_space<vmem>> -> memref<1x64xi32, #tpu.memory_space<vmem>>
        %dma_start3A_1336 = tpu.memref_squeeze %dma_start3A_1335 : memref<1x64xi32, #tpu.memory_space<vmem>> -> memref<64xi32, #tpu.memory_space<vmem>>
        %dma_start3A_1337 = arith.constant 0 : i32
        %dma_start3A_1338 = arith.constant 0 : i32
        %dma_start3A_1339 = tpu.memref_slice %arg3[%dma_start3A_1337, %dma_start3A_1338] : memref<100000x128xf32, #tpu.memory_space<hbm>> -> memref<100000x128xf32, #tpu.memory_space<hbm>>
        %dma_start3A_1340 = tpu.memref_slice %arg7[%dma_start3A_1330] : memref<10x!tpu.dma_semaphore, #tpu.memory_space<semaphore_mem>> -> memref<1x!tpu.dma_semaphore, #tpu.memory_space<semaphore_mem>>
        %dma_start3A_1341 = tpu.memref_squeeze %dma_start3A_1340 : memref<1x!tpu.dma_semaphore, #tpu.memory_space<semaphore_mem>> -> memref<!tpu.dma_semaphore, #tpu.memory_space<semaphore_mem>>
        tpu.enqueue_indirect_dma source(%dma_start3A_1339 : memref<100000x128xf32, #tpu.memory_space<hbm>>) target(%dma_start3A_1334 : memref<64x128xf32, #tpu.memory_space<vmem>>) offsets(%dma_start3A_1336 : memref<64xi32, #tpu.memory_space<vmem>>) semaphore(%dma_start3A_1341 : memref<!tpu.dma_semaphore, #tpu.memory_space<semaphore_mem>>)
      } else {
      }
    }
    %scan3A_156 = arith.constant 10 : i32
    return
  }
}

</mosaic_0001>

<sc_bundles>
// kernel: kernel.3.cloned.1.call-start
scs
__scs_entry_jumppad:
0x0: {  	(pc) =	sbr.rel $0x88, $3  }
0x1: {  	(tag) =	ssettag $0x0;
	lr =	simm.s32 $0x1  }
0x2: {  	[smem:$0x3F9F] =	sst lr;
	_ =	strace $0xD0000000  }
0x3: {  	_ = 	snop  }
0x4: {  	_ = 	snop  }
0x5: {  	_ = 	snop  }
0x6: {  	_ = 	snop  }
0x7: {  	_ = 	snop  }
__scs_overlays_trampoline_lowered:
0x8: {  	[smem:$0x3FAE] =	sst s0  }
0x9: {  	[smem:$0x3FAF] =	sst s1  }
0xa: {  	[smem:$0x3FB0] =	sst s2  }
0xb: {  	[smem:$0x3FB1] =	sst s3  }
0xc: {  	[smem:$0x3FB2] =	sst s4  }
0xd: {  	[smem:$0x3FB3] =	sst s5  }
0xe: {  	[smem:$0x3FB4] =	sst s6  }
0xf: {  	[smem:$0x3FB5] =	sst s7  }
0x10: {  	[smem:$0x3FB6] =	sst s8  }
0x11: {  	[smem:$0x3FB7] =	sst s9;
	s0 =	simm.s32 @!p0 $0x0  }
0x12: {  	s1 =	sld [smem:$0x3F9D];
	s0 =	simm.s32 @p0 $0x1  }
0x13: {  	[smem:$0x3FB8] =	sst s0;
	s0 =	simm.s32 @!p1 $0x0  }
0x14: {  	s2 =	sld [smem:$0x3F9C];
	s0 =	simm.s32 @p1 $0x1  }
0x15: {  	[smem:$0x3FB9] =	sst s0;
	s0 =	simm.s32 @!p2 $0x0  }
0x16: {  	s3 =	sld [smem:$0x3FDB];
	s0 =	simm.s32 @p2 $0x1  }
0x17: {  	s4 =	simm.s32 $0x1BF5;
	[smem:$0x3FBB] =	sst s0  }
0x18: {  	s0 =	sld [smem:$0x3F9E];
	_ =	swait.ge [sflag:s4], $0x0  }
0x19: {  	s7 =	sld [smem:$0x3F9F]  }
0x1a: {  	s8 =	sadd.s32 $0xFFFFE003, lr  }
0x1b: {  	s9 =	sadd.s32 $0xFFFFFEF7, lr;
	s5 =	simm.s32 $0xFFFFFFFF;
	p2 =	slt.u32 s8, $0xFFFFF086  }
0x1c: {  	p1 =	slt.u32 s9, $0xF7A;
	s5 =	simm.s32 @!p2 $0x0  }
0x1d: {  	s5 =	simm.s32 @p1 $0x1;
	p0 =	seq.s32 s7, s2  }
0x1e: {  	s7 =	smul.u32 @!p0 $0xF7A, s2;
	p2 =	seq.s32 @!p0 s5, $0x0  }
0x1f: {  	s9 =	smul.u32 $0xF7A, s1;
	s8 =	simm.s32 @!p0 $0x1BF5;
	p2 =	por !p2, p0  }
0x20: {  	[sflag:s8] =	ssyncset.s32 @!p0 $0xFFFFF086;
	s6 =	sadd.s32 @!p0 s3, s7;
	s7 =	simm.s32 @!p0 $0x108  }
0x21: {  	s3 =	sadd.s32 s3, s9;
	s6 =	sadd.s32 @!p0 $0x88, s6;
	s7 =	simm.s32 @p2 $0x1082  }
0x22: {  	[simem:s7], [sflag:s8] =	dma.local @!p0 [hbm:s6], $0xF7A  }
0x23: {  	s9 =	sor.u32 $0xD0000000, s2;
	s6 =	simm.s32 $0x108;
	_ =	swait.ge @!p0 [sflag:s8], $0x0  }
0x24: {  	s3 =	sadd.s32 $0x88, s3;
	s6 =	simm.s32 @!p1 $0x1082;
	[sflag:s4] =	ssyncset.s32 $0xFFFFF086  }
0x25: {  	[simem:s6], [sflag:s4] =	dma.local [hbm:s3], $0xF7A  }
0x26: {  	[smem:$0x3F9F] =	sst s1;
	(tag) =	ssettag s2;
	_ =	strace s9  }
0x27: {  	s1 =	sld [smem:$0x3FAF]  }
0x28: {  	s2 =	sld [smem:$0x3FB0]  }
0x29: {  	s4 =	sld [smem:$0x3FB2]  }
0x2a: {  	p0 =	seq.s32 s5, $0x0;
	s5 =	sld [smem:$0x3FB3]  }
0x2b: {  	s6 =	sld [smem:$0x3FB4]  }
0x2c: {  	s7 =	sld [smem:$0x3FB5]  }
0x2d: {  	s3 =	simm.s32 $0x108;
	s8 =	sld [smem:$0x3FB6]  }
0x2e: {  	s3 =	simm.s32 @!p0 $0x1082;
	s9 =	sld [smem:$0x3FB7]  }
0x2f: {  	lr =	sadd.s32 s0, s3;
	s0 =	sld [smem:$0x3FAE]  }
0x30: {  	s3 =	sld [smem:$0x3FB1]  }
0x31: {  	[smem:$0x3FBA] =	sst s10  }
0x32: {  	s10 =	sld [smem:$0x3FB8];
	_ =	sdelay $0x3  }
0x33: {  	p0 =	seq.s32 s10, $0x1;
	s10 =	sld [smem:$0x3FBA];
	_ =	sdelay $0x3  }
0x34: {  	[smem:$0x3FBA] =	sst s10  }
0x35: {  	s10 =	sld [smem:$0x3FB9];
	_ =	sdelay $0x3  }
0x36: {  	p1 =	seq.s32 s10, $0x1;
	s10 =	sld [smem:$0x3FBA];
	_ =	sdelay $0x3  }
0x37: {  	[smem:$0x3FBA] =	sst s10  }
0x38: {  	s10 =	sld [smem:$0x3FBB]  }
0x39: {  	_ = 	snop;
	(pc) =	sbr.ind lr, $3  }
0x3a: {  	_ = 	snop  }
0x3b: {  	_ = 	snop  }
0x3c: {  	p2 =	seq.s32 s10, $0x1;
	s10 =	sld [smem:$0x3FBA]  }
0x3d: {  	_ =	shalt  }
0x3e: {  	_ =	shalt  }
0x3f: {  	_ =	shalt  }
0x40: {  	_ =	shalt  }
0x41: {  	_ =	shalt  }
0x42: {  	_ =	shalt  }
0x43: {  	_ =	shalt  }
0x44: {  	_ =	shalt  }
0x45: {  	_ =	shalt  }
0x46: {  	_ =	shalt  }
0x47: {  	_ =	shalt  }
0x48: {  	_ =	shalt  }
0x49: {  	_ =	shalt  }
0x4a: {  	_ =	shalt  }
0x4b: {  	_ =	shalt  }
0x4c: {  	_ =	shalt  }
0x4d: {  	_ =	shalt  }
0x4e: {  	_ =	shalt  }
0x4f: {  	_ =	shalt  }
0x50: {  	_ =	shalt  }
0x51: {  	_ =	shalt  }
0x52: {  	_ =	shalt  }
0x53: {  	_ =	shalt  }
0x54: {  	_ =	shalt  }
0x55: {  	_ =	shalt  }
0x56: {  	_ =	shalt  }
0x57: {  	_ =	shalt  }
0x58: {  	_ =	shalt  }
0x59: {  	_ =	shalt  }
0x5a: {  	_ =	shalt  }
0x5b: {  	_ =	shalt  }
0x5c: {  	_ =	shalt  }
0x5d: {  	_ =	shalt  }
0x5e: {  	_ =	shalt  }
0x5f: {  	_ =	shalt  }
0x60: {  	_ =	shalt  }
0x61: {  	_ =	shalt  }
0x62: {  	_ =	shalt  }
0x63: {  	_ =	shalt  }
0x64: {  	_ =	shalt  }
0x65: {  	_ =	shalt  }
0x66: {  	_ =	shalt  }
0x67: {  	_ =	shalt  }
0x68: {  	_ =	shalt  }
0x69: {  	_ =	shalt  }
0x6a: {  	_ =	shalt  }
0x6b: {  	_ =	shalt  }
0x6c: {  	_ =	shalt  }
0x6d: {  	_ =	shalt  }
0x6e: {  	_ =	shalt  }
0x6f: {  	_ =	shalt  }
0x70: {  	_ =	shalt  }
0x71: {  	_ =	shalt  }
0x72: {  	_ =	shalt  }
0x73: {  	_ =	shalt  }
0x74: {  	_ =	shalt  }
0x75: {  	_ =	shalt  }
0x76: {  	_ =	shalt  }
0x77: {  	_ =	shalt  }
0x78: {  	_ =	shalt  }
0x79: {  	_ =	shalt  }
0x7a: {  	_ =	shalt  }
0x7b: {  	_ =	shalt  }
0x7c: {  	_ =	shalt  }
0x7d: {  	_ =	shalt  }
0x7e: {  	_ =	shalt  }
0x7f: {  	_ =	shalt  }
0x80: {  	_ =	shalt  }
0x81: {  	_ =	shalt  }
0x82: {  	_ =	shalt  }
0x83: {  	_ =	shalt  }
0x84: {  	_ =	shalt  }
0x85: {  	_ =	shalt  }
0x86: {  	_ =	shalt  }
0x87: {  	_ =	shalt  }
.Lfunc_end0:
.L_simem_size_0:
called_computation_lowered:
.L_overlay_start_0:
0x88: {  	s2 =	sld [smem:$0x3FD9]  }
0x89: {  	s3 =	sld [smem:$0x3FFE];
	_ =	sdelay $0x1  }
0x8a: {  	s1 =	srdreg.scid  }
0x8b: {  	s0 =	sand.u32 $0x1, s1  }
0x8c: {  	s18 =	sshll.u32 s0, $0xA;
	s2 =	sadd.s32 s3, s2  }
0x8d: {  	s2 =	sadd.s32 s2, s18  }
0x8e: {  	[smem:$0x3FC6] =	sst s2  }
0x8f: {  	_ = 	snop  }
0x90: {  	s2 =	sld [smem:$0x3FC9]  }
0x91: {  	s19 =	sld [smem:$0x3FC8]  }
0x92: {  	s4 =	sld [smem:$0x3FD0];
	(tm) =	ssettm $0x1  }
0x93: {  	s5 =	sld [smem:$0x3FFB];
	_ =	sdelay $0x3  }
0x94: {  	_ =	strace s5  }
0x95: {  	s5 =	sld [smem:$0x3FFC];
	_ =	sdelay $0x3  }
0x96: {  	_ =	strace s5  }
0x97: {  	s5 =	sld [smem:$0x3FFD];
	_ =	sdelay $0x3  }
0x98: {  	_ =	strace s5  }
0x99: {  	_ =	strace $0x8FFFFFFF  }
0x9a: {  	s20 =	sld [smem:$0x3FDB];
	_ =	sdelay $0x1  }
0x9b: {  	s6 =	simm.s32 $_scs_section_size  }
0x9c: {  	s7 =	simm.s32 $_size__tile_overlayer_lowered;
	s8 =	simm.s32 $_tile_overlayer_lowered  }
0x9d: {  	s23 =	simm.s32 $0x1BFF;
	s22 =	sshll.u32 s8, $0x1;
	s5 =	sadd.s32 s6, s20  }
0x9e: {  	s9 =	simm.s32 $0x0;
	s21 =	sshll.u32 s7, $0x1;
	s7 =	sadd.s32 s22, s5  }
0x9f: {  	[timem:s9], [sflag:s23] =	dma.local [hbm:s7], s21  }
0xa0: {  	_ =	swait.ge [sflag:s23], s21  }
0xa1: {  	s6 =	ssub.s32 $0x0, s21;
	[sflag:s23] =	ssyncset.done $0x0  }
0xa2: {  	[sflag:s23] =	ssyncadd.s32 s6;
	_ =	sdelay $0x1  }
0xa3: {  	s24 =	simm.s32 $0x1B8B  }
0xa4: {  	_ =	swait.ge [sflag:s24], $0x1  }
0xa5: {  	[sflag:s24] =	ssyncset.done $0x0  }
0xa6: {  	s25 =	simm.s32 $0x1B8E;
	[sflag:s24] =	ssyncadd.s32 $0xFFFFFFFF  }
0xa7: {  	s26 =	simm.s32 $execute0_lowered;
	[smem:$0x3FD2] =	sst s25  }
0xa8: {  	s6 =	sshll.u32 s26, $0x1;
	_ =	strace $0x80000046;
	[dreg:$0x1] =	wrdreg $0xFFFFFFFF  }
0xa9: {  	s28 =	simm.s32 $_size_execute0_lowered;
	s5 =	sadd.s32 s5, s6;
	[dreg:$0x0] =	wrdreg $0x0  }
0xaa: {  	s6 =	sshll.u32 s28, $0x1;
	[dreg:$0x2] =	wrdreg s5  }
0xab: {  	[dreg:$0x3] =	wrdreg s6  }
0xac: {  	[dreg:$0x4] =	wrdreg $0xC0  }
0xad: {  	_ =	task [dreg:s9], $0x5FFFF  }
0xae: {  	[dreg:$0x1] =	wrdreg $0xFFFFFFFF  }
0xaf: {  	[dreg:$0x0] =	wrdreg $0x60  }
0xb0: {  	[dreg:$0x2] =	wrdreg s2  }
0xb1: {  	[dreg:$0x3] =	wrdreg s19  }
0xb2: {  	[dreg:$0x4] =	wrdreg s4  }
0xb3: {  	[dreg:$0x5] =	wrdreg $0x9  }
0xb4: {  	_ =	task.clear_ibuf [dreg:s9], $0x6FFFF;
	_ =	strace $0x90000046  }
0xb5: {  	s29 =	simm.s32 $0x9;
	_ =	strace $0x80000048  }
0xb6: {  	_ =	swait.ge [sflag:s29], $0x1  }
0xb7: {  	[sflag:s29] =	ssyncadd.s32 $0xFFFFFFFF  }
0xb8: {  	_ =	strace $0x90000048  }
0xb9: {  	_ =	sfence  }
0xba: {  	s30 =	sld [smem:$0x0];
	_ =	sdelay $0x2  }
0xbb: {  	s31 =	sshll.u32 s1, $0xD;
	s1 =	sshrl.u32 s1, $0x2  }
0xbc: {  	s3 =	sand.u32 $0x4000, s31;
	s1 =	sadd.s32 s1, s30  }
0xbd: {  	s0 =	sor.u32 s3, s0;
	s1 =	sshll.u32 s1, $0x11  }
0xbe: {  	s0 =	sor.u32 s1, s0  }
0xbf: {  	s0 =	sadd.s32 $0x8F2B, s0  }
0xc0: {  	[sflag:s0] =	ssyncadd.remote.s32 $0x1  }
0xc1: {  	_ =	sfence.sel $0xFFFF  }
0xc2: {  	[dreg:$0x0] =	wrdreg $0xFFFFFFFF;
	(pc) =	sbr.abs _section_cstart, $3  }
0xc3: {  	[dreg:$0x1] =	wrdreg $0xFFFFFFFF  }
0xc4: {  	_ =	task.clear_ibuf [dreg:s9], $0x2FFFF;
	_ =	strace $0x9FFFFFFF  }
0xc5: {  	(tm) =	ssettm $0x7FFFFFFF  }
tec
execute0_lowered:
.L_overlay_start_1:
0x0: {  	(tag) =	ssettag $0x1  }
0x1: {  	s0 =	rddreg [dreg:$0x0]  }
0x2: {  	s1 =	rddreg [dreg:$0x1]  }
0x3: {  	s2 =	srdreg.scid;
	s4 =	simm.s32 $0x0;
	s8 =	stileid.u32  }
0x4: {  	s28 =	simm.s32 $0x5C00;
	s30 =	simm.s32 $0xFC00;
	s31 =	simm.s32 $0x11C00  }
0x5: {  	s9 =	simm.s32 $0xA;
	s10 =	simm.s32 $0xB;
	s11 =	simm.s32 $0xC  }
0x6: {  	s2 =	sand.u32 $0x1, s2;
	[smem:$0x7FF] =	sst s4;
	s6 =	sshll.u32 s8, $0x8  }
0x7: {  	s13 =	sshll.u32 s8, $0xF;
	s8 =	simm.s32 $0x9;
	s3 =	ssub.s32 $0x2, s2  }
0x8: {  	s7 =	sshll.u32 s2, $0x7;
	_ =	strace $0x80000047;
	s2 =	sshll.u32 s2, $0xE  }
0x9: {  	s5 =	sshrl.u32 s3, $0x1;
	s12 =	sor.u32 s7, s6;
	s6 =	simm.s32 $0x5  }
0xa: {  	s7 =	simm.s32 $0x6;
	s3 =	ssub.s32 s3, s5;
	s5 =	sadd.s32 s0, s12  }
0xb: {  	s0 =	sor.u32 s2, s13;
	s12 =	simm.s32 $0xD;
	s13 =	simm.s32 $0xE  }
0xc: {  	[dreg:$0x4] =	wrdreg s5;
	s5 =	sadd.s32 $0x6000, s5;
	s3 =	smax.u32 s3, $0x1  }
0xd: {  	s2 =	sor.u32 $0x202000, s0;
	s14 =	sor.u32 $0x200000, s0;
	s15 =	sor.u32 $0x182000, s0  }
0xe: {  	s18 =	sor.u32 $0x180000, s0;
	s19 =	sor.u32 $0x102000, s0;
	s20 =	sor.u32 $0x100000, s0  }
0xf: {  	s23 =	sor.u32 $0x82000, s0;
	s24 =	sor.u32 $0x80000, s0;
	[dreg:$0x5] =	wrdreg s5  }
0x10: {  	s25 =	sor.u32 $0x2000, s0;
	s0 =	sshrl.u32 s0, $0x3;
	[dreg:$0x6] =	wrdreg s3  }
0x11: {  	s2 =	sshrl.u32 s2, $0x3;
	s16 =	sshrl.u32 s14, $0x3;
	s17 =	sshrl.u32 s15, $0x3  }
0x12: {  	s21 =	sshrl.u32 s19, $0x3;
	s22 =	sshrl.u32 s20, $0x3;
	[dreg:$0x10] =	wrdreg s0  }
0x13: {  	s26 =	sshrl.u32 s24, $0x3;
	s29 =	sshrl.u32 s25, $0x3;
	[dreg:$0x7] =	wrdreg s2  }
0x14: {  	s20 =	simm.s32 $0x3C00;
	s0 =	simm.s32 $0x7C00;
	[dreg:$0x8] =	wrdreg s16  }
0x15: {  	s19 =	simm.s32 $0xBC00;
	s25 =	simm.s32 $0xDC00;
	[dreg:$0x9] =	wrdreg s17  }
0x16: {  	s5 =	simm.s32 $0x7;
	s14 =	simm.s32 $0xF;
	[dreg:$0xb] =	wrdreg s21  }
0x17: {  	s15 =	simm.s32 $0x10;
	s24 =	simm.s32 $0x14;
	[dreg:$0xc] =	wrdreg s22  }
.Ltmp0:
0x18: {  	s2 =	sshrl.u32 s18, $0x3;
	[dreg:$0xe] =	wrdreg s26;
	(pc) =	sbr.rel .LBB2_1-.Ltmp0, $4  }
0x19: {  	[dreg:$0xf] =	wrdreg s29;
	s22 =	simm.s32 $0x40;
	s18 =	simm.s32 $0x1C00  }
0x1a: {  	s21 =	simm.s32 $0x8;
	s16 =	simm.s32 $0x11;
	s17 =	simm.s32 $0x12  }
0x1b: {  	s26 =	simm.s32 $0x0;
	[dreg:$0xa] =	wrdreg s2;
	s2 =	sshrl.u32 s23, $0x3  }
0x1c: {  	s23 =	simm.s32 $0x13;
	[dreg:$0xd] =	wrdreg s2;
	s2 =	simm.s32 $0x9C00  }
.LBB2_4:
0x1d: {  	_ =	swait.ge [sflag:s11], $0x2000  }
0x1e: {  	[sflag:s11] =	ssyncset.done $0x0  }
0x1f: {  	[sflag:s11] =	ssyncadd.s32 $0xFFFFE000  }
0x20: {  	_ =	swait.ge [sflag:s12], $0x2000  }
0x21: {  	[sflag:s12] =	ssyncset.done $0x0  }
0x22: {  	[sflag:s12] =	ssyncadd.s32 $0xFFFFE000  }
0x23: {  	_ =	swait.ge [sflag:s13], $0x2000  }
0x24: {  	[sflag:s13] =	ssyncset.done $0x0  }
0x25: {  	[sflag:s13] =	ssyncadd.s32 $0xFFFFE000  }
0x26: {  	_ =	swait.ge [sflag:s14], $0x2000  }
0x27: {  	[sflag:s14] =	ssyncset.done $0x0  }
0x28: {  	[sflag:s14] =	ssyncadd.s32 $0xFFFFE000  }
0x29: {  	_ =	swait.ge [sflag:s15], $0x2000  }
0x2a: {  	[sflag:s15] =	ssyncset.done $0x0  }
0x2b: {  	[sflag:s15] =	ssyncadd.s32 $0xFFFFE000  }
0x2c: {  	_ =	swait.ge [sflag:s16], $0x2000  }
0x2d: {  	[sflag:s16] =	ssyncset.done $0x0  }
0x2e: {  	[sflag:s16] =	ssyncadd.s32 $0xFFFFE000  }
0x2f: {  	_ =	swait.ge [sflag:s17], $0x2000  }
0x30: {  	[sflag:s17] =	ssyncset.done $0x0  }
0x31: {  	[sflag:s17] =	ssyncadd.s32 $0xFFFFE000  }
0x32: {  	_ =	swait.ge [sflag:s23], $0x2000  }
0x33: {  	[sflag:s23] =	ssyncset.done $0x0  }
0x34: {  	[sflag:s23] =	ssyncadd.s32 $0xFFFFE000  }
0x35: {  	_ =	swait.ge [sflag:s24], $0x2000  }
0x36: {  	s26 =	rddreg [dreg:$0x11]  }
0x37: {  	s3 =	rddreg [dreg:$0x6];
	s26 =	sadd.s32 $0x1, s26  }
0x38: {  	p0 =	sne.s32 s26, s3  }
.Ltmp1:
0x39: {  	_ = 	snop;
	(pc) =	sbr.rel @!p0 .LBB2_5-.Ltmp1, $4  }
0x3a: {  	s18 =	simm.s32 $0x1C00;
	s20 =	simm.s32 $0x3C00  }
0x3b: {  	s28 =	simm.s32 $0x5C00;
	s0 =	simm.s32 $0x7C00;
	s2 =	simm.s32 $0x9C00  }
0x3c: {  	s19 =	simm.s32 $0xBC00;
	s25 =	simm.s32 $0xDC00;
	[sflag:s24] =	ssyncset.done $0x0  }
0x3d: {  	s30 =	simm.s32 $0xFC00;
	s31 =	simm.s32 $0x11C00;
	[sflag:s24] =	ssyncadd.s32 $0xFFFFE000  }
.LBB2_1:
0x3e: {  	[dreg:$0x11] =	wrdreg s26  }
0x3f: {  	s3 =	rddreg [dreg:$0x4];
	s26 =	simm.s32 $0x400;
	s29 =	simm.s32 $0x8000  }
0x40: {  	[tilespmem:s4], [sflag:$0x15] =	stream.strided.gather [hbm4b:s3+s26], $0x1800, s29, s26, $0x38;
	[tilespmem:$0x15C00] =	vst v63  }
0x41: {  	s3 =	rddreg [dreg:$0x5];
	s26 =	simm.s32 $0x1800  }
0x42: {  	[tilespmem:s26], [sflag:$0x15] =	stream.linear.gather [hbm4b:s3+s4], $0x100, $0x38;
	[tilespmem:$0x15C00] =	vst v63  }
0x43: {  	s26 =	simm.s32 $0x15  }
0x44: {  	_ =	swait.ge [sflag:s26], $0x1900  }
0x45: {  	[sflag:s26] =	ssyncset.done $0x0  }
0x46: {  	[sflag:s26] =	ssyncadd.s32 $0xFFFFE700  }
0x47: {  	[tilespmem:s18], [sflag:$0x1] =	stream.indirect.gather [hbm4b:s1+s22], $0x80, s4, s22, $0xb8;
	[tilespmem:$0x15C00] =	vst v63  }
0x48: {  	_ = 	snop  }
0x49: {  	[tilespmem:s20], [sflag:$0x2] =	stream.indirect.gather [hbm4b:s1+s22], $0x80, s22, s22, $0xb8;
	[tilespmem:$0x15C00] =	vst v63  }
0x4a: {  	s20 =	simm.s32 $0x80  }
0x4b: {  	[tilespmem:s28], [sflag:$0x3] =	stream.indirect.gather [hbm4b:s1+s22], $0x80, s20, s22, $0xb8;
	[tilespmem:$0x15C00] =	vst v63  }
0x4c: {  	s26 =	simm.s32 $0xC0  }
0x4d: {  	[tilespmem:s0], [sflag:$0x4] =	stream.indirect.gather [hbm4b:s1+s22], $0x80, s26, s22, $0xb8;
	[tilespmem:$0x15C00] =	vst v63  }
0x4e: {  	s3 =	simm.s32 $0x100  }
0x4f: {  	[tilespmem:s2], [sflag:$0x5] =	stream.indirect.gather [hbm4b:s1+s22], $0x80, s3, s22, $0xb8;
	[tilespmem:$0x15C00] =	vst v63  }
0x50: {  	s18 =	simm.s32 $0x140  }
0x51: {  	[tilespmem:s19], [sflag:$0x6] =	stream.indirect.gather [hbm4b:s1+s22], $0x80, s18, s22, $0xb8;
	[tilespmem:$0x15C00] =	vst v63  }
0x52: {  	s29 =	simm.s32 $0x0;
	s20 =	simm.s32 $0x1C0;
	s19 =	simm.s32 $0x180  }
0x53: {  	[tilespmem:s25], [sflag:$0x7] =	stream.indirect.gather [hbm4b:s1+s22], $0x80, s19, s22, $0xb8;
	[tilespmem:$0x15C00] =	vst v63  }
0x54: {  	s28 =	simm.s32 $0x5C00;
	s26 =	simm.s32 $0x240;
	s0 =	simm.s32 $0x7C00  }
0x55: {  	[tilespmem:s30], [sflag:$0x8] =	stream.indirect.gather [hbm4b:s1+s22], $0x80, s20, s22, $0xb8;
	[tilespmem:$0x15C00] =	vst v63  }
0x56: {  	s2 =	simm.s32 $0x9C00;
	s18 =	simm.s32 $0x11C00;
	s25 =	simm.s32 $0x200  }
0x57: {  	[tilespmem:s31], [sflag:$0x9] =	stream.indirect.gather [hbm4b:s1+s22], $0x80, s25, s22, $0xb8;
	[tilespmem:$0x15C00] =	vst v63  }
0x58: {  	s19 =	simm.s32 $0xBC00;
	s20 =	simm.s32 $0x3C00;
	s31 =	simm.s32 $0x13C00  }
0x59: {  	[tilespmem:s31], [sflag:$0xA] =	stream.indirect.gather [hbm4b:s1+s22], $0x80, s26, s22, $0xb8;
	[tilespmem:$0x15C00] =	vst v63  }
0x5a: {  	s30 =	simm.s32 $0xFC00;
	s25 =	simm.s32 $0xDC00;
	s26 =	rddreg [dreg:$0x2]  }
.LBB2_2:
0x5b: {  	s3 =	simm.s32 $0x1  }
0x5c: {  	_ =	swait.ge [sflag:s3], $0x2000  }
0x5d: {  	[sflag:s3] =	ssyncset.done $0x0;
	s31 =	rddreg [dreg:$0x10]  }
0x5e: {  	[sflag:s3] =	ssyncadd.s32 $0xFFFFE000;
	s31 =	sadd.s32 s26, s31;
	s3 =	simm.s32 $0x1C00  }
0x5f: {  	[hbm4b:s31+s4] =	stream.linear.scatter [tilespmem:s3], [sflag:$0xB], $0x2000, $0x38;
	[tilespmem:$0x15C00] =	vst v63  }
0x60: {  	s31 =	simm.s32 $0x2  }
0x61: {  	_ =	swait.ge [sflag:s31], $0x2000  }
0x62: {  	[sflag:s31] =	ssyncset.done $0x0  }
0x63: {  	[sflag:s31] =	ssyncadd.s32 $0xFFFFE000;
	s31 =	rddreg [dreg:$0xf]  }
0x64: {  	s3 =	sadd.s32 s26, s31  }
0x65: {  	[hbm4b:s3+s4] =	stream.linear.scatter [tilespmem:s20], [sflag:$0xC], $0x2000, $0x38;
	[tilespmem:$0x15C00] =	vst v63  }
0x66: {  	s20 =	simm.s32 $0x3  }
0x67: {  	_ =	swait.ge [sflag:s20], $0x2000  }
0x68: {  	[sflag:s20] =	ssyncset.done $0x0;
	s31 =	rddreg [dreg:$0xe]  }
0x69: {  	[sflag:s20] =	ssyncadd.s32 $0xFFFFE000;
	s3 =	sadd.s32 s26, s31;
	s20 =	simm.s32 $0x4  }
0x6a: {  	[hbm4b:s3+s4] =	stream.linear.scatter [tilespmem:s28], [sflag:$0xD], $0x2000, $0x38;
	[tilespmem:$0x15C00] =	vst v63  }
0x6b: {  	_ =	swait.ge [sflag:s20], $0x2000  }
0x6c: {  	[sflag:s20] =	ssyncset.done $0x0;
	s31 =	rddreg [dreg:$0xd]  }
0x6d: {  	[sflag:s20] =	ssyncadd.s32 $0xFFFFE000;
	s20 =	sadd.s32 s26, s31  }
0x6e: {  	[hbm4b:s20+s4] =	stream.linear.scatter [tilespmem:s0], [sflag:$0xE], $0x2000, $0x38;
	[tilespmem:$0x15C00] =	vst v63  }
0x6f: {  	_ =	swait.ge [sflag:s6], $0x2000  }
0x70: {  	[sflag:s6] =	ssyncset.done $0x0;
	s31 =	rddreg [dreg:$0xc]  }
0x71: {  	[sflag:s6] =	ssyncadd.s32 $0xFFFFE000;
	s20 =	sadd.s32 s26, s31  }
0x72: {  	[hbm4b:s20+s4] =	stream.linear.scatter [tilespmem:s2], [sflag:$0xF], $0x2000, $0x38;
	[tilespmem:$0x15C00] =	vst v63  }
0x73: {  	_ =	swait.ge [sflag:s7], $0x2000  }
0x74: {  	[sflag:s7] =	ssyncset.done $0x0;
	s31 =	rddreg [dreg:$0xb]  }
0x75: {  	[sflag:s7] =	ssyncadd.s32 $0xFFFFE000;
	s20 =	sadd.s32 s26, s31  }
0x76: {  	[hbm4b:s20+s4] =	stream.linear.scatter [tilespmem:s19], [sflag:$0x10], $0x2000, $0x38;
	[tilespmem:$0x15C00] =	vst v63  }
0x77: {  	_ =	swait.ge [sflag:s5], $0x2000  }
0x78: {  	[sflag:s5] =	ssyncset.done $0x0;
	s31 =	rddreg [dreg:$0xa]  }
0x79: {  	[sflag:s5] =	ssyncadd.s32 $0xFFFFE000;
	s20 =	sadd.s32 s26, s31  }
0x7a: {  	[hbm4b:s20+s4] =	stream.linear.scatter [tilespmem:s25], [sflag:$0x11], $0x2000, $0x38;
	[tilespmem:$0x15C00] =	vst v63  }
0x7b: {  	_ =	swait.ge [sflag:s21], $0x2000  }
0x7c: {  	[sflag:s21] =	ssyncset.done $0x0;
	s31 =	rddreg [dreg:$0x9]  }
0x7d: {  	[sflag:s21] =	ssyncadd.s32 $0xFFFFE000;
	s20 =	sadd.s32 s26, s31  }
0x7e: {  	[hbm4b:s20+s4] =	stream.linear.scatter [tilespmem:s30], [sflag:$0x12], $0x2000, $0x38;
	[tilespmem:$0x15C00] =	vst v63  }
0x7f: {  	_ =	swait.ge [sflag:s8], $0x2000  }
0x80: {  	[sflag:s8] =	ssyncset.done $0x0;
	s31 =	rddreg [dreg:$0x8]  }
0x81: {  	[sflag:s8] =	ssyncadd.s32 $0xFFFFE000;
	s20 =	sadd.s32 s26, s31  }
0x82: {  	[hbm4b:s20+s4] =	stream.linear.scatter [tilespmem:s18], [sflag:$0x13], $0x2000, $0x38;
	[tilespmem:$0x15C00] =	vst v63  }
0x83: {  	p0 =	seq.s32 s29, $0x5A00;
	_ =	swait.ge [sflag:s9], $0x2000  }
0x84: {  	s20 =	simm.s32 $0x13C00;
	[sflag:s9] =	ssyncset.done $0x0;
	s31 =	rddreg [dreg:$0x7]  }
.Ltmp2:
0x85: {  	[sflag:s9] =	ssyncadd.s32 $0xFFFFE000;
	s3 =	sadd.s32 s26, s31;
	(pc) =	sbr.rel @p0 .LBB2_4-.Ltmp2, $4  }
0x86: {  	[hbm4b:s3+s4] =	stream.linear.scatter [tilespmem:s20], [sflag:$0x14], $0x2000, $0x38;
	[tilespmem:$0x15C00] =	vst v63  }
0x87: {  	_ =	swait.ge [sflag:s10], $0x2000  }
0x88: {  	[sflag:s10] =	ssyncset.done $0x0  }
0x89: {  	[sflag:s10] =	ssyncadd.s32 $0xFFFFE000  }
0x8a: {  	s31 =	sshra.s32 s29, $0x2  }
0x8b: {  	s20 =	simm.s32 $0x1C00;
	s3 =	sadd.s32 $0x280, s31  }
0x8c: {  	[tilespmem:s20], [sflag:$0x1] =	stream.indirect.gather [hbm4b:s1+s22], $0x80, s3, s22, $0xb8;
	[tilespmem:$0x15C00] =	vst v63  }
0x8d: {  	_ =	swait.ge [sflag:s11], $0x2000  }
0x8e: {  	[sflag:s11] =	ssyncset.done $0x0  }
0x8f: {  	s20 =	simm.s32 $0x3C00;
	s3 =	sadd.s32 $0x2C0, s31;
	[sflag:s11] =	ssyncadd.s32 $0xFFFFE000  }
0x90: {  	[tilespmem:s20], [sflag:$0x2] =	stream.indirect.gather [hbm4b:s1+s22], $0x80, s3, s22, $0xb8;
	[tilespmem:$0x15C00] =	vst v63  }
0x91: {  	_ =	swait.ge [sflag:s12], $0x2000  }
0x92: {  	[sflag:s12] =	ssyncset.done $0x0  }
0x93: {  	s3 =	sadd.s32 $0x300, s31;
	[sflag:s12] =	ssyncadd.s32 $0xFFFFE000  }
0x94: {  	[tilespmem:s28], [sflag:$0x3] =	stream.indirect.gather [hbm4b:s1+s22], $0x80, s3, s22, $0xb8;
	[tilespmem:$0x15C00] =	vst v63  }
0x95: {  	_ =	swait.ge [sflag:s13], $0x2000  }
0x96: {  	[sflag:s13] =	ssyncset.done $0x0  }
0x97: {  	s3 =	sadd.s32 $0x340, s31;
	[sflag:s13] =	ssyncadd.s32 $0xFFFFE000  }
0x98: {  	[tilespmem:s0], [sflag:$0x4] =	stream.indirect.gather [hbm4b:s1+s22], $0x80, s3, s22, $0xb8;
	[tilespmem:$0x15C00] =	vst v63  }
0x99: {  	_ =	swait.ge [sflag:s14], $0x2000  }
0x9a: {  	[sflag:s14] =	ssyncset.done $0x0  }
0x9b: {  	s3 =	sadd.s32 $0x380, s31;
	[sflag:s14] =	ssyncadd.s32 $0xFFFFE000  }
0x9c: {  	[tilespmem:s2], [sflag:$0x5] =	stream.indirect.gather [hbm4b:s1+s22], $0x80, s3, s22, $0xb8;
	[tilespmem:$0x15C00] =	vst v63  }
0x9d: {  	_ =	swait.ge [sflag:s15], $0x2000  }
0x9e: {  	[sflag:s15] =	ssyncset.done $0x0  }
0x9f: {  	s3 =	sadd.s32 $0x3C0, s31;
	[sflag:s15] =	ssyncadd.s32 $0xFFFFE000  }
0xa0: {  	[tilespmem:s19], [sflag:$0x6] =	stream.indirect.gather [hbm4b:s1+s22], $0x80, s3, s22, $0xb8;
	[tilespmem:$0x15C00] =	vst v63  }
0xa1: {  	_ =	swait.ge [sflag:s16], $0x2000  }
0xa2: {  	[sflag:s16] =	ssyncset.done $0x0  }
0xa3: {  	s3 =	sadd.s32 $0x400, s31;
	[sflag:s16] =	ssyncadd.s32 $0xFFFFE000  }
0xa4: {  	[tilespmem:s25], [sflag:$0x7] =	stream.indirect.gather [hbm4b:s1+s22], $0x80, s3, s22, $0xb8;
	[tilespmem:$0x15C00] =	vst v63  }
0xa5: {  	_ =	swait.ge [sflag:s17], $0x2000  }
0xa6: {  	[sflag:s17] =	ssyncset.done $0x0  }
0xa7: {  	s3 =	sadd.s32 $0x440, s31;
	[sflag:s17] =	ssyncadd.s32 $0xFFFFE000  }
0xa8: {  	[tilespmem:s30], [sflag:$0x8] =	stream.indirect.gather [hbm4b:s1+s22], $0x80, s3, s22, $0xb8;
	[tilespmem:$0x15C00] =	vst v63  }
0xa9: {  	_ =	swait.ge [sflag:s23], $0x2000  }
0xaa: {  	[sflag:s23] =	ssyncset.done $0x0  }
0xab: {  	s3 =	sadd.s32 $0x480, s31;
	[sflag:s23] =	ssyncadd.s32 $0xFFFFE000  }
0xac: {  	[tilespmem:s18], [sflag:$0x9] =	stream.indirect.gather [hbm4b:s1+s22], $0x80, s3, s22, $0xb8;
	[tilespmem:$0x15C00] =	vst v63  }
.Ltmp3:
0xad: {  	_ = 	snop;
	(pc) =	sbr.rel .LBB2_2-.Ltmp3, $4  }
0xae: {  	_ =	swait.ge [sflag:s24], $0x2000  }
0xaf: {  	s29 =	sadd.s32 $0xA00, s29;
	s26 =	sadd.s32 $0x50000, s26;
	[sflag:s24] =	ssyncset.done $0x0  }
0xb0: {  	s3 =	sadd.s32 $0x4C0, s31;
	s31 =	simm.s32 $0x13C00;
	[sflag:s24] =	ssyncadd.s32 $0xFFFFE000  }
0xb1: {  	[tilespmem:s31], [sflag:$0xA] =	stream.indirect.gather [hbm4b:s1+s22], $0x80, s3, s22, $0xb8;
	[tilespmem:$0x15C00] =	vst v63  }
.LBB2_5:
0xb2: {  	_ =	sfence.sel $0x180000  }
0xb3: {  	[bflag:$0x0] =	sbarrier.arrive $0xFFFF  }
0xb4: {  	_ =	strace $0x90000047  }
0xb5: {  	s0 =	stileid.u32;
	[bflag:$0x2] =	sbarrier.arrive $0xFFFF  }
0xb6: {  	p0 =	sne.s32 s0, $0x0;
	s0 =	rddreg [dreg:$0x3]  }
0xb7: {  	s0 =	sadd.s32 @!p0 $0x100000, s0  }
0xb8: {  	[sflag:s0] =	ssyncadd.tile.s32 @!p0 $0x1;
	_ =	shalt  }
.Lfunc_end2:
_tile_overlayer_lowered:
.L_overlay_start_2:
0xb9: {  	(tag) =	ssettag $0x2  }
0xba: {  	s0 =	rddreg [dreg:$0x0];
	s2 =	stileid.u32  }
0xbb: {  	s1 =	rddreg [dreg:$0x1];
	p0 =	sne.s32 s2, $0x0  }
0xbc: {  	s3 =	rddreg [dreg:$0x2];
	[bflag:$0x3] =	sbarrier.arrive $0xFFFF;
	s2 =	simm.s32 @!p0 $0x1C15  }
0xbd: {  	[timem:s3], [sflag:s2] =	dma.local @!p0 [hbm:s0], s1  }
0xbe: {  	s0 =	simm.s32 @!p0 $0x15  }
0xbf: {  	_ =	swait.ge @!p0 [sflag:s0], s1  }
0xc0: {  	s1 =	ssub.s32 @!p0 $0x0, s1;
	[sflag:s0] =	ssyncset.done @!p0 $0x0  }
0xc1: {  	[sflag:s0] =	ssyncadd.s32 @!p0 s1  }
0xc2: {  	[bflag:$0x3] =	sbarrier.arrive $0xFFFF  }
0xc3: {  	_ =	shalt  }

</sc_bundles>
